<compile_context>
chip_gen: v7x
topology: tpu7x:2x2x1
jax: 0.10.2.dev20260603
libtpu: 0.0.44.dev20260713+nightly
codegen_flags: <defaults>
</compile_context>

<pallas_src>
import functools

import jax
import jax.numpy as jnp
from jax import lax
from jax.experimental import pallas as pl
from jax.experimental.pallas import tpu as pltpu
from jax.experimental.pallas import tpu_sc as plsc

NUM_CORES = 2
NUM_SUBCORES = 16
NW = NUM_CORES * NUM_SUBCORES

CB = 256
SUB = CB // 128
NBUF = 2


@functools.partial(jax.jit, static_argnames=())
def _gather_t(idxT, weight):
    H, Bt = idxT.shape
    D = weight.shape[1]
    DB = D // 8
    bpw = Bt // NW
    mesh = plsc.VectorSubcoreMesh(core_axis_name="c", subcore_axis_name="s")

    @functools.partial(
        pl.kernel,
        mesh=mesh,
        out_type=jax.ShapeDtypeStruct((H, DB, (Bt // 128) * 8, 128),
                                      jnp.float32),
        scratch_types=[
            pltpu.VMEM((NBUF, CB), jnp.int32),
            pltpu.VMEM((NBUF, CB, D), jnp.float32),
            pltpu.VMEM((NBUF, DB, SUB * 8, 129), jnp.float32),
            pltpu.SemaphoreType.DMA,
            pltpu.SemaphoreType.DMA,
            pltpu.SemaphoreType.DMA,
            pltpu.SemaphoreType.DMA,
        ],
        compiler_params=pltpu.CompilerParams(use_tc_tiling_on_sc=False,
                                             needs_layout_passes=False),
    )
    def k(idx_hbm, table_hbm, out_hbm, idx_v, rows_v, tbuf, g0, g1, o0, o1):
        gsems = (g0, g1)
        osems = (o0, o1)
        wid = lax.axis_index("s") * NUM_CORES + lax.axis_index("c")
        b0w = wid * bpw
        iota = lax.iota(jnp.int32, 16)
        dbs = [(iota + d0) // 8 for d0 in (0, 16, 32, 48)]
        rvs = [bo * 8 + (iota + d0) % 8
               for bo in range(SUB) for d0 in (0, 16, 32, 48)]

        def group(h, carry):
            descs = []
            for b in range(NBUF):
                blk0 = wid * (bpw // 128) + b * SUB

                @pl.when(h > 0)
                def _drain():
                    pltpu.make_async_copy(
                        tbuf.at[b, :, :, pl.ds(0, 128)],
                        out_hbm.at[h - 1, :, pl.ds(blk0 * 8, SUB * 8)],
                        osems[b],
                    ).wait()

                pltpu.sync_copy(
                    idx_hbm.at[h, pl.ds(b0w + b * CB, CB)], idx_v.at[b])
                descs.append(
                    pltpu.async_copy(table_hbm.at[idx_v.at[b]], rows_v.at[b],
                                     gsems[b]))
            for b in range(NBUF):
                blk0 = wid * (bpw // 128) + b * SUB
                descs[b].wait()
                rows2 = rows_v.at[b]
                tb = tbuf.at[b]
                for bo in range(SUB):
                    rv = rvs[bo * 4:bo * 4 + 4]

                    @plsc.parallel_loop(0, 128, 1, unroll=4)
                    def _t_body(bi, bo=bo, rv=rv):
                        cvec = jnp.zeros((16,), jnp.int32) + bi
                        for d0g in range(4):
                            v = rows2[bo * 128 + bi, pl.ds(d0g * 16, 16)]
                            plsc.store_scatter(tb, [dbs[d0g], rv[d0g], cvec],
                                               v)
                pltpu.async_copy(
                    tb.at[:, :, pl.ds(0, 128)],
                    out_hbm.at[h, :, pl.ds(blk0 * 8, SUB * 8)],
                    osems[b])
            return carry

        lax.fori_loop(0, H, group, 0)
        for b in range(NBUF):
            blk0 = wid * (bpw // 128) + b * SUB
            pltpu.make_async_copy(
                tbuf.at[b, :, :, pl.ds(0, 128)],
                out_hbm.at[H - 1, :, pl.ds(blk0 * 8, SUB * 8)],
                osems[b]).wait()

    return k(idxT, weight)


def kernel(input_, weight):
    Bt, H = input_.shape
    D = weight.shape[1]
    idxT = jnp.transpose(input_).astype(jnp.int32)
    out4 = _gather_t(idxT, weight)
    out5 = out4.reshape(H, 8, Bt // 128, 8, 128)
    return out5.transpose(2, 4, 0, 1, 3).reshape(Bt, H, D)

# --- scband reference (transcript-rebuilt; emitter-appended) ---
"""Pipeline reference for scband-embedding1-d-37649683317273 (READ-ONLY COPY).

The authoritative reference and input builder live on the scoring server;
editing this copy changes nothing except your own understanding.
"""

import jax, jax.numpy as jnp
import numpy as np

NUM_EMBEDDINGS = 1000000
EMBED_DIM = 64
BATCH = 16384
HIST = 50

def setup_inputs(seed: int = 0) -> dict:
    key = jax.random.key(seed)
    k_idx, k_w = jax.random.split(key)
    input_ = jax.random.randint(k_idx, (BATCH, HIST), 0, NUM_EMBEDDINGS, dtype=jnp.int64 if jax.config.jax_enable_x64 else jnp.int32)
    weight = jax.random.normal(k_w, (NUM_EMBEDDINGS, EMBED_DIM), dtype=jnp.float32) * 0.02
    return {"input_": input_, "weight": weight}

def reference(input_, weight):
    # Embedding1D forward with vocab_parallel=False, padding_idx=None:
    # output = F.embedding(input_, weight) -> row gather from table
    return jnp.take(weight, input_, axis=0)

if __name__ == "__main__":
    import jax
    _d = setup_inputs()
    print(jax.jit(kernel)(*tuple(_d.values())))

</pallas_src>

<mosaic_0001>
#map = affine_map<(d0, d1) -> (0, 0)>
#map1 = affine_map<(d0, d1) -> (0, 0, 0, 0)>
module attributes {stable_mosaic.version = 14 : i64} {
  func.func @k(%arg0: i32, %arg1: i32, %arg2: memref<50x16384xi32, #tpu.memory_space<hbm>>, %arg3: memref<1000000x64xf32, #tpu.memory_space<hbm>>, %arg4: memref<50x8x1024x128xf32, #tpu.memory_space<hbm>>, %arg5: memref<2x256xi32, #tpu.memory_space<vmem>>, %arg6: memref<2x256x64xf32, #tpu.memory_space<vmem>>, %arg7: memref<2x8x16x129xf32, #tpu.memory_space<vmem>>, %arg8: memref<!tpu.dma_semaphore, #tpu.memory_space<semaphore_mem>>, %arg9: memref<!tpu.dma_semaphore, #tpu.memory_space<semaphore_mem>>, %arg10: memref<!tpu.dma_semaphore, #tpu.memory_space<semaphore_mem>>, %arg11: memref<!tpu.dma_semaphore, #tpu.memory_space<semaphore_mem>>) attributes {dimension_semantics = [#tpu.dimension_semantics<core_parallel>, #tpu.dimension_semantics<subcore_parallel>], iteration_bounds = array<i64: 2, 16>, scalar_prefetch = 0 : i64, scratch_operands = 7 : i64, tpu.core_type = #tpu.core_type<sc_vector_subcore>, window_params = [{transform_indices = #map}, {transform_indices = #map}, {transform_indices = #map1}]} {
    %mul3A = arith.constant 2 : i32
    %mul3A_0 = arith.muli %arg1, %mul3A : i32
    %add3A = arith.addi %mul3A_0, %arg0 : i32
    %mul3A_1 = arith.constant 512 : i32
    %mul3A_2 = arith.muli %add3A, %mul3A_1 : i32
    %iota3A = tpu.iota {dimensions = array<i32: 0>} : vector<16xi32>
    %add3A_3 = arith.constant 0 : i32
    %add3A_4 = vector.broadcast %add3A_3 : i32 to vector<16xi32>
    %add3A_5 = arith.addi %iota3A, %add3A_4 : vector<16xi32>
    %jit3A = arith.constant 8 : i32
    %div3A = vector.broadcast %jit3A : i32 to vector<16xi32>
    %div3A_6 = arith.divsi %add3A_5, %div3A : vector<16xi32>
    %sign3A = arith.constant 0 : i32
    %sign3A_7 = vector.broadcast %sign3A : i32 to vector<16xi32>
    %sign3A_8 = arith.cmpi sgt, %add3A_5, %sign3A_7 : vector<16xi32>
    %sign3A_9 = arith.extui %sign3A_8 : vector<16xi1> to vector<16xi32>
    %sign3A_10 = arith.constant 0 : i32
    %sign3A_11 = vector.broadcast %sign3A_10 : i32 to vector<16xi32>
    %sign3A_12 = arith.cmpi slt, %add3A_5, %sign3A_11 : vector<16xi32>
    %sign3A_13 = arith.extui %sign3A_12 : vector<16xi1> to vector<16xi32>
    %sign3A_14 = arith.subi %sign3A_9, %sign3A_13 : vector<16xi32>
    %sign3A_15 = arith.constant 0 : i32
    %sign3A_16 = arith.cmpi sgt, %jit3A, %sign3A_15 : i32
    %sign3A_17 = arith.extui %sign3A_16 : i1 to i32
    %sign3A_18 = arith.constant 0 : i32
    %sign3A_19 = arith.cmpi slt, %jit3A, %sign3A_18 : i32
    %sign3A_20 = arith.extui %sign3A_19 : i1 to i32
    %sign3A_21 = arith.subi %sign3A_17, %sign3A_20 : i32
    %ne3A = vector.broadcast %sign3A_21 : i32 to vector<16xi32>
    %ne3A_22 = arith.cmpi ne, %sign3A_14, %ne3A : vector<16xi32>
    %rem3A = vector.broadcast %jit3A : i32 to vector<16xi32>
    %rem3A_23 = arith.remsi %add3A_5, %rem3A : vector<16xi32>
    %ne3A_24 = arith.constant 0 : i32
    %ne3A_25 = vector.broadcast %ne3A_24 : i32 to vector<16xi32>
    %ne3A_26 = arith.cmpi ne, %rem3A_23, %ne3A_25 : vector<16xi32>
    %and3A = arith.andi %ne3A_22, %ne3A_26 : vector<16xi1>
    %sub3A = arith.constant 1 : i32
    %sub3A_27 = vector.broadcast %sub3A : i32 to vector<16xi32>
    %sub3A_28 = arith.subi %div3A_6, %sub3A_27 : vector<16xi32>
    %select_n3A = arith.select %and3A, %sub3A_28, %div3A_6 : vector<16xi1>, vector<16xi32>
    %add3A_29 = arith.constant 16 : i32
    %add3A_30 = vector.broadcast %add3A_29 : i32 to vector<16xi32>
    %add3A_31 = arith.addi %iota3A, %add3A_30 : vector<16xi32>
    %jit3A_32 = arith.constant 8 : i32
    %div3A_33 = vector.broadcast %jit3A_32 : i32 to vector<16xi32>
    %div3A_34 = arith.divsi %add3A_31, %div3A_33 : vector<16xi32>
    %sign3A_35 = arith.constant 0 : i32
    %sign3A_36 = vector.broadcast %sign3A_35 : i32 to vector<16xi32>
    %sign3A_37 = arith.cmpi sgt, %add3A_31, %sign3A_36 : vector<16xi32>
    %sign3A_38 = arith.extui %sign3A_37 : vector<16xi1> to vector<16xi32>
    %sign3A_39 = arith.constant 0 : i32
    %sign3A_40 = vector.broadcast %sign3A_39 : i32 to vector<16xi32>
    %sign3A_41 = arith.cmpi slt, %add3A_31, %sign3A_40 : vector<16xi32>
    %sign3A_42 = arith.extui %sign3A_41 : vector<16xi1> to vector<16xi32>
    %sign3A_43 = arith.subi %sign3A_38, %sign3A_42 : vector<16xi32>
    %sign3A_44 = arith.constant 0 : i32
    %sign3A_45 = arith.cmpi sgt, %jit3A_32, %sign3A_44 : i32
    %sign3A_46 = arith.extui %sign3A_45 : i1 to i32
    %sign3A_47 = arith.constant 0 : i32
    %sign3A_48 = arith.cmpi slt, %jit3A_32, %sign3A_47 : i32
    %sign3A_49 = arith.extui %sign3A_48 : i1 to i32
    %sign3A_50 = arith.subi %sign3A_46, %sign3A_49 : i32
    %ne3A_51 = vector.broadcast %sign3A_50 : i32 to vector<16xi32>
    %ne3A_52 = arith.cmpi ne, %sign3A_43, %ne3A_51 : vector<16xi32>
    %rem3A_53 = vector.broadcast %jit3A_32 : i32 to vector<16xi32>
    %rem3A_54 = arith.remsi %add3A_31, %rem3A_53 : vector<16xi32>
    %ne3A_55 = arith.constant 0 : i32
    %ne3A_56 = vector.broadcast %ne3A_55 : i32 to vector<16xi32>
    %ne3A_57 = arith.cmpi ne, %rem3A_54, %ne3A_56 : vector<16xi32>
    %and3A_58 = arith.andi %ne3A_52, %ne3A_57 : vector<16xi1>
    %sub3A_59 = arith.constant 1 : i32
    %sub3A_60 = vector.broadcast %sub3A_59 : i32 to vector<16xi32>
    %sub3A_61 = arith.subi %div3A_34, %sub3A_60 : vector<16xi32>
    %select_n3A_62 = arith.select %and3A_58, %sub3A_61, %div3A_34 : vector<16xi1>, vector<16xi32>
    %add3A_63 = arith.constant 32 : i32
    %add3A_64 = vector.broadcast %add3A_63 : i32 to vector<16xi32>
    %add3A_65 = arith.addi %iota3A, %add3A_64 : vector<16xi32>
    %jit3A_66 = arith.constant 8 : i32
    %div3A_67 = vector.broadcast %jit3A_66 : i32 to vector<16xi32>
    %div3A_68 = arith.divsi %add3A_65, %div3A_67 : vector<16xi32>
    %sign3A_69 = arith.constant 0 : i32
    %sign3A_70 = vector.broadcast %sign3A_69 : i32 to vector<16xi32>
    %sign3A_71 = arith.cmpi sgt, %add3A_65, %sign3A_70 : vector<16xi32>
    %sign3A_72 = arith.extui %sign3A_71 : vector<16xi1> to vector<16xi32>
    %sign3A_73 = arith.constant 0 : i32
    %sign3A_74 = vector.broadcast %sign3A_73 : i32 to vector<16xi32>
    %sign3A_75 = arith.cmpi slt, %add3A_65, %sign3A_74 : vector<16xi32>
    %sign3A_76 = arith.extui %sign3A_75 : vector<16xi1> to vector<16xi32>
    %sign3A_77 = arith.subi %sign3A_72, %sign3A_76 : vector<16xi32>
    %sign3A_78 = arith.constant 0 : i32
    %sign3A_79 = arith.cmpi sgt, %jit3A_66, %sign3A_78 : i32
    %sign3A_80 = arith.extui %sign3A_79 : i1 to i32
    %sign3A_81 = arith.constant 0 : i32
    %sign3A_82 = arith.cmpi slt, %jit3A_66, %sign3A_81 : i32
    %sign3A_83 = arith.extui %sign3A_82 : i1 to i32
    %sign3A_84 = arith.subi %sign3A_80, %sign3A_83 : i32
    %ne3A_85 = vector.broadcast %sign3A_84 : i32 to vector<16xi32>
    %ne3A_86 = arith.cmpi ne, %sign3A_77, %ne3A_85 : vector<16xi32>
    %rem3A_87 = vector.broadcast %jit3A_66 : i32 to vector<16xi32>
    %rem3A_88 = arith.remsi %add3A_65, %rem3A_87 : vector<16xi32>
    %ne3A_89 = arith.constant 0 : i32
    %ne3A_90 = vector.broadcast %ne3A_89 : i32 to vector<16xi32>
    %ne3A_91 = arith.cmpi ne, %rem3A_88, %ne3A_90 : vector<16xi32>
    %and3A_92 = arith.andi %ne3A_86, %ne3A_91 : vector<16xi1>
    %sub3A_93 = arith.constant 1 : i32
    %sub3A_94 = vector.broadcast %sub3A_93 : i32 to vector<16xi32>
    %sub3A_95 = arith.subi %div3A_68, %sub3A_94 : vector<16xi32>
    %select_n3A_96 = arith.select %and3A_92, %sub3A_95, %div3A_68 : vector<16xi1>, vector<16xi32>
    %add3A_97 = arith.constant 48 : i32
    %add3A_98 = vector.broadcast %add3A_97 : i32 to vector<16xi32>
    %add3A_99 = arith.addi %iota3A, %add3A_98 : vector<16xi32>
    %jit3A_100 = arith.constant 8 : i32
    %div3A_101 = vector.broadcast %jit3A_100 : i32 to vector<16xi32>
    %div3A_102 = arith.divsi %add3A_99, %div3A_101 : vector<16xi32>
    %sign3A_103 = arith.constant 0 : i32
    %sign3A_104 = vector.broadcast %sign3A_103 : i32 to vector<16xi32>
    %sign3A_105 = arith.cmpi sgt, %add3A_99, %sign3A_104 : vector<16xi32>
    %sign3A_106 = arith.extui %sign3A_105 : vector<16xi1> to vector<16xi32>
    %sign3A_107 = arith.constant 0 : i32
    %sign3A_108 = vector.broadcast %sign3A_107 : i32 to vector<16xi32>
    %sign3A_109 = arith.cmpi slt, %add3A_99, %sign3A_108 : vector<16xi32>
    %sign3A_110 = arith.extui %sign3A_109 : vector<16xi1> to vector<16xi32>
    %sign3A_111 = arith.subi %sign3A_106, %sign3A_110 : vector<16xi32>
    %sign3A_112 = arith.constant 0 : i32
    %sign3A_113 = arith.cmpi sgt, %jit3A_100, %sign3A_112 : i32
    %sign3A_114 = arith.extui %sign3A_113 : i1 to i32
    %sign3A_115 = arith.constant 0 : i32
    %sign3A_116 = arith.cmpi slt, %jit3A_100, %sign3A_115 : i32
    %sign3A_117 = arith.extui %sign3A_116 : i1 to i32
    %sign3A_118 = arith.subi %sign3A_114, %sign3A_117 : i32
    %ne3A_119 = vector.broadcast %sign3A_118 : i32 to vector<16xi32>
    %ne3A_120 = arith.cmpi ne, %sign3A_111, %ne3A_119 : vector<16xi32>
    %rem3A_121 = vector.broadcast %jit3A_100 : i32 to vector<16xi32>
    %rem3A_122 = arith.remsi %add3A_99, %rem3A_121 : vector<16xi32>
    %ne3A_123 = arith.constant 0 : i32
    %ne3A_124 = vector.broadcast %ne3A_123 : i32 to vector<16xi32>
    %ne3A_125 = arith.cmpi ne, %rem3A_122, %ne3A_124 : vector<16xi32>
    %and3A_126 = arith.andi %ne3A_120, %ne3A_125 : vector<16xi1>
    %sub3A_127 = arith.constant 1 : i32
    %sub3A_128 = vector.broadcast %sub3A_127 : i32 to vector<16xi32>
    %sub3A_129 = arith.subi %div3A_102, %sub3A_128 : vector<16xi32>
    %select_n3A_130 = arith.select %and3A_126, %sub3A_129, %div3A_102 : vector<16xi1>, vector<16xi32>
    %add3A_131 = arith.constant 0 : i32
    %add3A_132 = vector.broadcast %add3A_131 : i32 to vector<16xi32>
    %add3A_133 = arith.addi %iota3A, %add3A_132 : vector<16xi32>
    %jit3A_134 = arith.constant 8 : i32
    %eq3A = arith.constant 0 : i32
    %eq3A_135 = arith.cmpi eq, %jit3A_134, %eq3A : i32
    %jit3A_136 = arith.constant 1 : i32
    %select_n3A_137 = arith.select %eq3A_135, %jit3A_136, %jit3A_134 : i32
    %rem3A_138 = vector.broadcast %select_n3A_137 : i32 to vector<16xi32>
    %rem3A_139 = arith.remsi %add3A_133, %rem3A_138 : vector<16xi32>
    %ne3A_140 = arith.constant 0 : i32
    %ne3A_141 = vector.broadcast %ne3A_140 : i32 to vector<16xi32>
    %ne3A_142 = arith.cmpi ne, %rem3A_139, %ne3A_141 : vector<16xi32>
    %lt3A = arith.constant 0 : i32
    %lt3A_143 = vector.broadcast %lt3A : i32 to vector<16xi32>
    %lt3A_144 = arith.cmpi slt, %rem3A_139, %lt3A_143 : vector<16xi32>
    %lt3A_145 = arith.constant 0 : i32
    %lt3A_146 = arith.cmpi slt, %select_n3A_137, %lt3A_145 : i32
    %ne3A_147 = vector.broadcast %lt3A_146 : i1 to vector<16xi1>
    %ne3A_148 = vector.broadcast %ne3A_147 : vector<16xi1> to vector<16xi1>
    %ne3A_149 = arith.xori %lt3A_144, %ne3A_148 : vector<16xi1>
    %and3A_150 = arith.andi %ne3A_149, %ne3A_142 : vector<16xi1>
    %add3A_151 = vector.broadcast %select_n3A_137 : i32 to vector<16xi32>
    %add3A_152 = arith.addi %rem3A_139, %add3A_151 : vector<16xi32>
    %select_n3A_153 = arith.select %and3A_150, %add3A_152, %rem3A_139 : vector<16xi1>, vector<16xi32>
    %add3A_154 = arith.constant 0 : i32
    %add3A_155 = vector.broadcast %add3A_154 : i32 to vector<16xi32>
    %add3A_156 = arith.addi %add3A_155, %select_n3A_153 : vector<16xi32>
    %add3A_157 = arith.constant 16 : i32
    %add3A_158 = vector.broadcast %add3A_157 : i32 to vector<16xi32>
    %add3A_159 = arith.addi %iota3A, %add3A_158 : vector<16xi32>
    %jit3A_160 = arith.constant 8 : i32
    %eq3A_161 = arith.constant 0 : i32
    %eq3A_162 = arith.cmpi eq, %jit3A_160, %eq3A_161 : i32
    %jit3A_163 = arith.constant 1 : i32
    %select_n3A_164 = arith.select %eq3A_162, %jit3A_163, %jit3A_160 : i32
    %rem3A_165 = vector.broadcast %select_n3A_164 : i32 to vector<16xi32>
    %rem3A_166 = arith.remsi %add3A_159, %rem3A_165 : vector<16xi32>
    %ne3A_167 = arith.constant 0 : i32
    %ne3A_168 = vector.broadcast %ne3A_167 : i32 to vector<16xi32>
    %ne3A_169 = arith.cmpi ne, %rem3A_166, %ne3A_168 : vector<16xi32>
    %lt3A_170 = arith.constant 0 : i32
    %lt3A_171 = vector.broadcast %lt3A_170 : i32 to vector<16xi32>
    %lt3A_172 = arith.cmpi slt, %rem3A_166, %lt3A_171 : vector<16xi32>
    %lt3A_173 = arith.constant 0 : i32
    %lt3A_174 = arith.cmpi slt, %select_n3A_164, %lt3A_173 : i32
    %ne3A_175 = vector.broadcast %lt3A_174 : i1 to vector<16xi1>
    %ne3A_176 = vector.broadcast %ne3A_175 : vector<16xi1> to vector<16xi1>
    %ne3A_177 = arith.xori %lt3A_172, %ne3A_176 : vector<16xi1>
    %and3A_178 = arith.andi %ne3A_177, %ne3A_169 : vector<16xi1>
    %add3A_179 = vector.broadcast %select_n3A_164 : i32 to vector<16xi32>
    %add3A_180 = arith.addi %rem3A_166, %add3A_179 : vector<16xi32>
    %select_n3A_181 = arith.select %and3A_178, %add3A_180, %rem3A_166 : vector<16xi1>, vector<16xi32>
    %add3A_182 = arith.constant 0 : i32
    %add3A_183 = vector.broadcast %add3A_182 : i32 to vector<16xi32>
    %add3A_184 = arith.addi %add3A_183, %select_n3A_181 : vector<16xi32>
    %add3A_185 = arith.constant 32 : i32
    %add3A_186 = vector.broadcast %add3A_185 : i32 to vector<16xi32>
    %add3A_187 = arith.addi %iota3A, %add3A_186 : vector<16xi32>
    %jit3A_188 = arith.constant 8 : i32
    %eq3A_189 = arith.constant 0 : i32
    %eq3A_190 = arith.cmpi eq, %jit3A_188, %eq3A_189 : i32
    %jit3A_191 = arith.constant 1 : i32
    %select_n3A_192 = arith.select %eq3A_190, %jit3A_191, %jit3A_188 : i32
    %rem3A_193 = vector.broadcast %select_n3A_192 : i32 to vector<16xi32>
    %rem3A_194 = arith.remsi %add3A_187, %rem3A_193 : vector<16xi32>
    %ne3A_195 = arith.constant 0 : i32
    %ne3A_196 = vector.broadcast %ne3A_195 : i32 to vector<16xi32>
    %ne3A_197 = arith.cmpi ne, %rem3A_194, %ne3A_196 : vector<16xi32>
    %lt3A_198 = arith.constant 0 : i32
    %lt3A_199 = vector.broadcast %lt3A_198 : i32 to vector<16xi32>
    %lt3A_200 = arith.cmpi slt, %rem3A_194, %lt3A_199 : vector<16xi32>
    %lt3A_201 = arith.constant 0 : i32
    %lt3A_202 = arith.cmpi slt, %select_n3A_192, %lt3A_201 : i32
    %ne3A_203 = vector.broadcast %lt3A_202 : i1 to vector<16xi1>
    %ne3A_204 = vector.broadcast %ne3A_203 : vector<16xi1> to vector<16xi1>
    %ne3A_205 = arith.xori %lt3A_200, %ne3A_204 : vector<16xi1>
    %and3A_206 = arith.andi %ne3A_205, %ne3A_197 : vector<16xi1>
    %add3A_207 = vector.broadcast %select_n3A_192 : i32 to vector<16xi32>
    %add3A_208 = arith.addi %rem3A_194, %add3A_207 : vector<16xi32>
    %select_n3A_209 = arith.select %and3A_206, %add3A_208, %rem3A_194 : vector<16xi1>, vector<16xi32>
    %add3A_210 = arith.constant 0 : i32
    %add3A_211 = vector.broadcast %add3A_210 : i32 to vector<16xi32>
    %add3A_212 = arith.addi %add3A_211, %select_n3A_209 : vector<16xi32>
    %add3A_213 = arith.constant 48 : i32
    %add3A_214 = vector.broadcast %add3A_213 : i32 to vector<16xi32>
    %add3A_215 = arith.addi %iota3A, %add3A_214 : vector<16xi32>
    %jit3A_216 = arith.constant 8 : i32
    %eq3A_217 = arith.constant 0 : i32
    %eq3A_218 = arith.cmpi eq, %jit3A_216, %eq3A_217 : i32
    %jit3A_219 = arith.constant 1 : i32
    %select_n3A_220 = arith.select %eq3A_218, %jit3A_219, %jit3A_216 : i32
    %rem3A_221 = vector.broadcast %select_n3A_220 : i32 to vector<16xi32>
    %rem3A_222 = arith.remsi %add3A_215, %rem3A_221 : vector<16xi32>
    %ne3A_223 = arith.constant 0 : i32
    %ne3A_224 = vector.broadcast %ne3A_223 : i32 to vector<16xi32>
    %ne3A_225 = arith.cmpi ne, %rem3A_222, %ne3A_224 : vector<16xi32>
    %lt3A_226 = arith.constant 0 : i32
    %lt3A_227 = vector.broadcast %lt3A_226 : i32 to vector<16xi32>
    %lt3A_228 = arith.cmpi slt, %rem3A_222, %lt3A_227 : vector<16xi32>
    %lt3A_229 = arith.constant 0 : i32
    %lt3A_230 = arith.cmpi slt, %select_n3A_220, %lt3A_229 : i32
    %ne3A_231 = vector.broadcast %lt3A_230 : i1 to vector<16xi1>
    %ne3A_232 = vector.broadcast %ne3A_231 : vector<16xi1> to vector<16xi1>
    %ne3A_233 = arith.xori %lt3A_228, %ne3A_232 : vector<16xi1>
    %and3A_234 = arith.andi %ne3A_233, %ne3A_225 : vector<16xi1>
    %add3A_235 = vector.broadcast %select_n3A_220 : i32 to vector<16xi32>
    %add3A_236 = arith.addi %rem3A_222, %add3A_235 : vector<16xi32>
    %select_n3A_237 = arith.select %and3A_234, %add3A_236, %rem3A_222 : vector<16xi1>, vector<16xi32>
    %add3A_238 = arith.constant 0 : i32
    %add3A_239 = vector.broadcast %add3A_238 : i32 to vector<16xi32>
    %add3A_240 = arith.addi %add3A_239, %select_n3A_237 : vector<16xi32>
    %add3A_241 = arith.constant 0 : i32
    %add3A_242 = vector.broadcast %add3A_241 : i32 to vector<16xi32>
    %add3A_243 = arith.addi %iota3A, %add3A_242 : vector<16xi32>
    %jit3A_244 = arith.constant 8 : i32
    %eq3A_245 = arith.constant 0 : i32
    %eq3A_246 = arith.cmpi eq, %jit3A_244, %eq3A_245 : i32
    %jit3A_247 = arith.constant 1 : i32
    %select_n3A_248 = arith.select %eq3A_246, %jit3A_247, %jit3A_244 : i32
    %rem3A_249 = vector.broadcast %select_n3A_248 : i32 to vector<16xi32>
    %rem3A_250 = arith.remsi %add3A_243, %rem3A_249 : vector<16xi32>
    %ne3A_251 = arith.constant 0 : i32
    %ne3A_252 = vector.broadcast %ne3A_251 : i32 to vector<16xi32>
    %ne3A_253 = arith.cmpi ne, %rem3A_250, %ne3A_252 : vector<16xi32>
    %lt3A_254 = arith.constant 0 : i32
    %lt3A_255 = vector.broadcast %lt3A_254 : i32 to vector<16xi32>
    %lt3A_256 = arith.cmpi slt, %rem3A_250, %lt3A_255 : vector<16xi32>
    %lt3A_257 = arith.constant 0 : i32
    %lt3A_258 = arith.cmpi slt, %select_n3A_248, %lt3A_257 : i32
    %ne3A_259 = vector.broadcast %lt3A_258 : i1 to vector<16xi1>
    %ne3A_260 = vector.broadcast %ne3A_259 : vector<16xi1> to vector<16xi1>
    %ne3A_261 = arith.xori %lt3A_256, %ne3A_260 : vector<16xi1>
    %and3A_262 = arith.andi %ne3A_261, %ne3A_253 : vector<16xi1>
    %add3A_263 = vector.broadcast %select_n3A_248 : i32 to vector<16xi32>
    %add3A_264 = arith.addi %rem3A_250, %add3A_263 : vector<16xi32>
    %select_n3A_265 = arith.select %and3A_262, %add3A_264, %rem3A_250 : vector<16xi1>, vector<16xi32>
    %add3A_266 = arith.constant 8 : i32
    %add3A_267 = vector.broadcast %add3A_266 : i32 to vector<16xi32>
    %add3A_268 = arith.addi %add3A_267, %select_n3A_265 : vector<16xi32>
    %add3A_269 = arith.constant 16 : i32
    %add3A_270 = vector.broadcast %add3A_269 : i32 to vector<16xi32>
    %add3A_271 = arith.addi %iota3A, %add3A_270 : vector<16xi32>
    %jit3A_272 = arith.constant 8 : i32
    %eq3A_273 = arith.constant 0 : i32
    %eq3A_274 = arith.cmpi eq, %jit3A_272, %eq3A_273 : i32
    %jit3A_275 = arith.constant 1 : i32
    %select_n3A_276 = arith.select %eq3A_274, %jit3A_275, %jit3A_272 : i32
    %rem3A_277 = vector.broadcast %select_n3A_276 : i32 to vector<16xi32>
    %rem3A_278 = arith.remsi %add3A_271, %rem3A_277 : vector<16xi32>
    %ne3A_279 = arith.constant 0 : i32
    %ne3A_280 = vector.broadcast %ne3A_279 : i32 to vector<16xi32>
    %ne3A_281 = arith.cmpi ne, %rem3A_278, %ne3A_280 : vector<16xi32>
    %lt3A_282 = arith.constant 0 : i32
    %lt3A_283 = vector.broadcast %lt3A_282 : i32 to vector<16xi32>
    %lt3A_284 = arith.cmpi slt, %rem3A_278, %lt3A_283 : vector<16xi32>
    %lt3A_285 = arith.constant 0 : i32
    %lt3A_286 = arith.cmpi slt, %select_n3A_276, %lt3A_285 : i32
    %ne3A_287 = vector.broadcast %lt3A_286 : i1 to vector<16xi1>
    %ne3A_288 = vector.broadcast %ne3A_287 : vector<16xi1> to vector<16xi1>
    %ne3A_289 = arith.xori %lt3A_284, %ne3A_288 : vector<16xi1>
    %and3A_290 = arith.andi %ne3A_289, %ne3A_281 : vector<16xi1>
    %add3A_291 = vector.broadcast %select_n3A_276 : i32 to vector<16xi32>
    %add3A_292 = arith.addi %rem3A_278, %add3A_291 : vector<16xi32>
    %select_n3A_293 = arith.select %and3A_290, %add3A_292, %rem3A_278 : vector<16xi1>, vector<16xi32>
    %add3A_294 = arith.constant 8 : i32
    %add3A_295 = vector.broadcast %add3A_294 : i32 to vector<16xi32>
    %add3A_296 = arith.addi %add3A_295, %select_n3A_293 : vector<16xi32>
    %add3A_297 = arith.constant 32 : i32
    %add3A_298 = vector.broadcast %add3A_297 : i32 to vector<16xi32>
    %add3A_299 = arith.addi %iota3A, %add3A_298 : vector<16xi32>
    %jit3A_300 = arith.constant 8 : i32
    %eq3A_301 = arith.constant 0 : i32
    %eq3A_302 = arith.cmpi eq, %jit3A_300, %eq3A_301 : i32
    %jit3A_303 = arith.constant 1 : i32
    %select_n3A_304 = arith.select %eq3A_302, %jit3A_303, %jit3A_300 : i32
    %rem3A_305 = vector.broadcast %select_n3A_304 : i32 to vector<16xi32>
    %rem3A_306 = arith.remsi %add3A_299, %rem3A_305 : vector<16xi32>
    %ne3A_307 = arith.constant 0 : i32
    %ne3A_308 = vector.broadcast %ne3A_307 : i32 to vector<16xi32>
    %ne3A_309 = arith.cmpi ne, %rem3A_306, %ne3A_308 : vector<16xi32>
    %lt3A_310 = arith.constant 0 : i32
    %lt3A_311 = vector.broadcast %lt3A_310 : i32 to vector<16xi32>
    %lt3A_312 = arith.cmpi slt, %rem3A_306, %lt3A_311 : vector<16xi32>
    %lt3A_313 = arith.constant 0 : i32
    %lt3A_314 = arith.cmpi slt, %select_n3A_304, %lt3A_313 : i32
    %ne3A_315 = vector.broadcast %lt3A_314 : i1 to vector<16xi1>
    %ne3A_316 = vector.broadcast %ne3A_315 : vector<16xi1> to vector<16xi1>
    %ne3A_317 = arith.xori %lt3A_312, %ne3A_316 : vector<16xi1>
    %and3A_318 = arith.andi %ne3A_317, %ne3A_309 : vector<16xi1>
    %add3A_319 = vector.broadcast %select_n3A_304 : i32 to vector<16xi32>
    %add3A_320 = arith.addi %rem3A_306, %add3A_319 : vector<16xi32>
    %select_n3A_321 = arith.select %and3A_318, %add3A_320, %rem3A_306 : vector<16xi1>, vector<16xi32>
    %add3A_322 = arith.constant 8 : i32
    %add3A_323 = vector.broadcast %add3A_322 : i32 to vector<16xi32>
    %add3A_324 = arith.addi %add3A_323, %select_n3A_321 : vector<16xi32>
    %add3A_325 = arith.constant 48 : i32
    %add3A_326 = vector.broadcast %add3A_325 : i32 to vector<16xi32>
    %add3A_327 = arith.addi %iota3A, %add3A_326 : vector<16xi32>
    %jit3A_328 = arith.constant 8 : i32
    %eq3A_329 = arith.constant 0 : i32
    %eq3A_330 = arith.cmpi eq, %jit3A_328, %eq3A_329 : i32
    %jit3A_331 = arith.constant 1 : i32
    %select_n3A_332 = arith.select %eq3A_330, %jit3A_331, %jit3A_328 : i32
    %rem3A_333 = vector.broadcast %select_n3A_332 : i32 to vector<16xi32>
    %rem3A_334 = arith.remsi %add3A_327, %rem3A_333 : vector<16xi32>
    %ne3A_335 = arith.constant 0 : i32
    %ne3A_336 = vector.broadcast %ne3A_335 : i32 to vector<16xi32>
    %ne3A_337 = arith.cmpi ne, %rem3A_334, %ne3A_336 : vector<16xi32>
    %lt3A_338 = arith.constant 0 : i32
    %lt3A_339 = vector.broadcast %lt3A_338 : i32 to vector<16xi32>
    %lt3A_340 = arith.cmpi slt, %rem3A_334, %lt3A_339 : vector<16xi32>
    %lt3A_341 = arith.constant 0 : i32
    %lt3A_342 = arith.cmpi slt, %select_n3A_332, %lt3A_341 : i32
    %ne3A_343 = vector.broadcast %lt3A_342 : i1 to vector<16xi1>
    %ne3A_344 = vector.broadcast %ne3A_343 : vector<16xi1> to vector<16xi1>
    %ne3A_345 = arith.xori %lt3A_340, %ne3A_344 : vector<16xi1>
    %and3A_346 = arith.andi %ne3A_345, %ne3A_337 : vector<16xi1>
    %add3A_347 = vector.broadcast %select_n3A_332 : i32 to vector<16xi32>
    %add3A_348 = arith.addi %rem3A_334, %add3A_347 : vector<16xi32>
    %select_n3A_349 = arith.select %and3A_346, %add3A_348, %rem3A_334 : vector<16xi1>, vector<16xi32>
    %add3A_350 = arith.constant 8 : i32
    %add3A_351 = vector.broadcast %add3A_350 : i32 to vector<16xi32>
    %add3A_352 = arith.addi %add3A_351, %select_n3A_349 : vector<16xi32>
    %scan3A = arith.constant 0 : i32
    %scan3A_353 = arith.constant 0 : i32
    %scan3A_354 = arith.constant 50 : i32
    %scan3A_355 = arith.addi %scan3A_353, %scan3A_354 : i32
    %scan3A_356 = arith.constant 1 : i32
    scf.for %scan3A_409 = %scan3A_353 to %scan3A_355 step %scan3A_356  : i32 {
      %mul3A_410 = arith.constant 4 : i32
      %mul3A_411 = arith.muli %add3A, %mul3A_410 : i32
      %add3A_412 = arith.constant 0 : i32
      %add3A_413 = arith.addi %mul3A_411, %add3A_412 : i32
      %gt3A = arith.constant 0 : i32
      %gt3A_414 = arith.cmpi sgt, %scan3A_409, %gt3A : i32
      %convert_element_type3A = arith.extui %gt3A_414 : i1 to i32
      %cond3A = arith.constant 0 : i32
      %cond3A_415 = arith.cmpi ne, %convert_element_type3A, %cond3A : i32
      scf.if %cond3A_415 {
        %sub3A_562 = arith.constant 1 : i32
        %sub3A_563 = arith.subi %scan3A_409, %sub3A_562 : i32
        %mul3A_564 = arith.constant 8 : i32
        %mul3A_565 = arith.muli %add3A_413, %mul3A_564 : i32
        %dma_wait3A_566 = arith.constant 0 : i32
        %dma_wait3A_567 = arith.constant 0 : i32
        %dma_wait3A_568 = arith.constant 0 : i32
        %dma_wait3A_569 = arith.constant 0 : i32
        %dma_wait3A_570 = tpu.memref_slice %arg7[%dma_wait3A_566, %dma_wait3A_567, %dma_wait3A_568, %dma_wait3A_569] : memref<2x8x16x129xf32, #tpu.memory_space<vmem>> -> memref<1x8x16x128xf32, #tpu.memory_space<vmem>>
        %dma_wait3A_571 = tpu.memref_squeeze %dma_wait3A_570 : memref<1x8x16x128xf32, #tpu.memory_space<vmem>> -> memref<8x16x128xf32, #tpu.memory_space<vmem>>
        %dma_wait3A_572 = arith.constant 0 : i32
        %dma_wait3A_573 = arith.constant 0 : i32
        %dma_wait3A_574 = tpu.memref_slice %arg4[%sub3A_563, %dma_wait3A_572, %mul3A_565, %dma_wait3A_573] : memref<50x8x1024x128xf32, #tpu.memory_space<hbm>> -> memref<1x8x16x128xf32, #tpu.memory_space<hbm>>
        %dma_wait3A_575 = tpu.memref_squeeze %dma_wait3A_574 : memref<1x8x16x128xf32, #tpu.memory_space<hbm>> -> memref<8x16x128xf32, #tpu.memory_space<hbm>>
        %dma_wait3A_576 = arith.constant 0 : i32
        %dma_wait3A_577 = arith.constant 0 : i32
        %dma_wait3A_578 = tpu.memref_slice %arg4[%sub3A_563, %dma_wait3A_576, %mul3A_565, %dma_wait3A_577] : memref<50x8x1024x128xf32, #tpu.memory_space<hbm>> -> memref<1x8x16x128xf32, #tpu.memory_space<hbm>>
        %dma_wait3A_579 = tpu.memref_squeeze %dma_wait3A_578 : memref<1x8x16x128xf32, #tpu.memory_space<hbm>> -> memref<8x16x128xf32, #tpu.memory_space<hbm>>
        %dma_wait3A_580 = arith.constant 0 : i32
        %dma_wait3A_581 = arith.constant 0 : i32
        %dma_wait3A_582 = arith.constant 0 : i32
        %dma_wait3A_583 = tpu.memref_slice %arg7[%dma_wait3A_566, %dma_wait3A_580, %dma_wait3A_581, %dma_wait3A_582] : memref<2x8x16x129xf32, #tpu.memory_space<vmem>> -> memref<1x8x16x128xf32, #tpu.memory_space<vmem>>
        %dma_wait3A_584 = tpu.memref_squeeze %dma_wait3A_583 : memref<1x8x16x128xf32, #tpu.memory_space<vmem>> -> memref<8x16x128xf32, #tpu.memory_space<vmem>>
        tpu.wait_dma2 semaphore(%arg10 : memref<!tpu.dma_semaphore, #tpu.memory_space<semaphore_mem>>) src(%dma_wait3A_584 : memref<8x16x128xf32, #tpu.memory_space<vmem>>) dst(%dma_wait3A_579 : memref<8x16x128xf32, #tpu.memory_space<hbm>>)
      } else {
      }
      %add3A_416 = arith.constant 0 : i32
      %add3A_417 = arith.addi %mul3A_2, %add3A_416 : i32
      %run_scoped3A = arith.constant 0 : i32
      "tpu.region"() ({
        %run_scoped3A_562 = tpu.sem_alloc : memref<!tpu.dma_semaphore, #tpu.memory_space<semaphore_mem>>
        %dma_start3A_563 = arith.constant 0 : i32
        %dma_start3A_564 = tpu.memref_slice %arg5[%run_scoped3A, %dma_start3A_563] : memref<2x256xi32, #tpu.memory_space<vmem>> -> memref<1x256xi32, #tpu.memory_space<vmem>>
        %dma_start3A_565 = tpu.memref_squeeze %dma_start3A_564 : memref<1x256xi32, #tpu.memory_space<vmem>> -> memref<256xi32, #tpu.memory_space<vmem>>
        %dma_start3A_566 = tpu.memref_slice %arg2[%scan3A_409, %add3A_417] : memref<50x16384xi32, #tpu.memory_space<hbm>> -> memref<1x256xi32, #tpu.memory_space<hbm>>
        %dma_start3A_567 = tpu.memref_squeeze %dma_start3A_566 : memref<1x256xi32, #tpu.memory_space<hbm>> -> memref<256xi32, #tpu.memory_space<hbm>>
        %dma_start3A_568 = arith.constant 0 : i32
        %dma_start3A_569 = tpu.memref_slice %arg5[%run_scoped3A, %dma_start3A_568] : memref<2x256xi32, #tpu.memory_space<vmem>> -> memref<1x256xi32, #tpu.memory_space<vmem>>
        %dma_start3A_570 = tpu.memref_squeeze %dma_start3A_569 : memref<1x256xi32, #tpu.memory_space<vmem>> -> memref<256xi32, #tpu.memory_space<vmem>>
        %dma_start3A_571 = tpu.memref_slice %arg2[%scan3A_409, %add3A_417] : memref<50x16384xi32, #tpu.memory_space<hbm>> -> memref<1x256xi32, #tpu.memory_space<hbm>>
        %dma_start3A_572 = tpu.memref_squeeze %dma_start3A_571 : memref<1x256xi32, #tpu.memory_space<hbm>> -> memref<256xi32, #tpu.memory_space<hbm>>
        tpu.enqueue_dma source(%dma_start3A_572 : memref<256xi32, #tpu.memory_space<hbm>>) target(%dma_start3A_570 : memref<256xi32, #tpu.memory_space<vmem>>) target_semaphore(%run_scoped3A_562 : memref<!tpu.dma_semaphore, #tpu.memory_space<semaphore_mem>>)
        %dma_wait3A_573 = arith.constant 0 : i32
        %dma_wait3A_574 = tpu.memref_slice %arg5[%run_scoped3A, %dma_wait3A_573] : memref<2x256xi32, #tpu.memory_space<vmem>> -> memref<1x256xi32, #tpu.memory_space<vmem>>
        %dma_wait3A_575 = tpu.memref_squeeze %dma_wait3A_574 : memref<1x256xi32, #tpu.memory_space<vmem>> -> memref<256xi32, #tpu.memory_space<vmem>>
        %dma_wait3A_576 = tpu.memref_slice %arg2[%scan3A_409, %add3A_417] : memref<50x16384xi32, #tpu.memory_space<hbm>> -> memref<1x256xi32, #tpu.memory_space<hbm>>
        %dma_wait3A_577 = tpu.memref_squeeze %dma_wait3A_576 : memref<1x256xi32, #tpu.memory_space<hbm>> -> memref<256xi32, #tpu.memory_space<hbm>>
        %dma_wait3A_578 = arith.constant 0 : i32
        %dma_wait3A_579 = tpu.memref_slice %arg5[%run_scoped3A, %dma_wait3A_578] : memref<2x256xi32, #tpu.memory_space<vmem>> -> memref<1x256xi32, #tpu.memory_space<vmem>>
        %dma_wait3A_580 = tpu.memref_squeeze %dma_wait3A_579 : memref<1x256xi32, #tpu.memory_space<vmem>> -> memref<256xi32, #tpu.memory_space<vmem>>
        %dma_wait3A_581 = tpu.memref_slice %arg2[%scan3A_409, %add3A_417] : memref<50x16384xi32, #tpu.memory_space<hbm>> -> memref<1x256xi32, #tpu.memory_space<hbm>>
        %dma_wait3A_582 = tpu.memref_squeeze %dma_wait3A_581 : memref<1x256xi32, #tpu.memory_space<hbm>> -> memref<256xi32, #tpu.memory_space<hbm>>
        tpu.wait_dma2 semaphore(%run_scoped3A_562 : memref<!tpu.dma_semaphore, #tpu.memory_space<semaphore_mem>>) src(%dma_wait3A_582 : memref<256xi32, #tpu.memory_space<hbm>>) dst(%dma_wait3A_580 : memref<256xi32, #tpu.memory_space<vmem>>)
        tpu.yield
      }) : () -> ()
      %dma_start3A = arith.constant 0 : i32
      %dma_start3A_418 = arith.constant 0 : i32
      %dma_start3A_419 = arith.constant 0 : i32
      %dma_start3A_420 = arith.constant 0 : i32
      %dma_start3A_421 = tpu.memref_slice %arg6[%dma_start3A_418, %dma_start3A_419, %dma_start3A_420] : memref<2x256x64xf32, #tpu.memory_space<vmem>> -> memref<1x256x64xf32, #tpu.memory_space<vmem>>
      %dma_start3A_422 = tpu.memref_squeeze %dma_start3A_421 : memref<1x256x64xf32, #tpu.memory_space<vmem>> -> memref<256x64xf32, #tpu.memory_space<vmem>>
      %dma_start3A_423 = arith.constant 0 : i32
      %dma_start3A_424 = tpu.memref_slice %arg5[%dma_start3A, %dma_start3A_423] : memref<2x256xi32, #tpu.memory_space<vmem>> -> memref<1x256xi32, #tpu.memory_space<vmem>>
      %dma_start3A_425 = tpu.memref_squeeze %dma_start3A_424 : memref<1x256xi32, #tpu.memory_space<vmem>> -> memref<256xi32, #tpu.memory_space<vmem>>
      %dma_start3A_426 = arith.constant 0 : i32
      %dma_start3A_427 = arith.constant 0 : i32
      %dma_start3A_428 = tpu.memref_slice %arg3[%dma_start3A_426, %dma_start3A_427] : memref<1000000x64xf32, #tpu.memory_space<hbm>> -> memref<1000000x64xf32, #tpu.memory_space<hbm>>
      tpu.enqueue_indirect_dma source(%dma_start3A_428 : memref<1000000x64xf32, #tpu.memory_space<hbm>>) target(%dma_start3A_422 : memref<256x64xf32, #tpu.memory_space<vmem>>) offsets(%dma_start3A_425 : memref<256xi32, #tpu.memory_space<vmem>>) semaphore(%arg8 : memref<!tpu.dma_semaphore, #tpu.memory_space<semaphore_mem>>)
      %mul3A_429 = arith.constant 4 : i32
      %mul3A_430 = arith.muli %add3A, %mul3A_429 : i32
      %add3A_431 = arith.constant 2 : i32
      %add3A_432 = arith.addi %mul3A_430, %add3A_431 : i32
      %gt3A_433 = arith.constant 0 : i32
      %gt3A_434 = arith.cmpi sgt, %scan3A_409, %gt3A_433 : i32
      %convert_element_type3A_435 = arith.extui %gt3A_434 : i1 to i32
      %cond3A_436 = arith.constant 0 : i32
      %cond3A_437 = arith.cmpi ne, %convert_element_type3A_435, %cond3A_436 : i32
      scf.if %cond3A_437 {
        %sub3A_562 = arith.constant 1 : i32
        %sub3A_563 = arith.subi %scan3A_409, %sub3A_562 : i32
        %mul3A_564 = arith.constant 8 : i32
        %mul3A_565 = arith.muli %add3A_432, %mul3A_564 : i32
        %dma_wait3A_566 = arith.constant 1 : i32
        %dma_wait3A_567 = arith.constant 0 : i32
        %dma_wait3A_568 = arith.constant 0 : i32
        %dma_wait3A_569 = arith.constant 0 : i32
        %dma_wait3A_570 = tpu.memref_slice %arg7[%dma_wait3A_566, %dma_wait3A_567, %dma_wait3A_568, %dma_wait3A_569] : memref<2x8x16x129xf32, #tpu.memory_space<vmem>> -> memref<1x8x16x128xf32, #tpu.memory_space<vmem>>
        %dma_wait3A_571 = tpu.memref_squeeze %dma_wait3A_570 : memref<1x8x16x128xf32, #tpu.memory_space<vmem>> -> memref<8x16x128xf32, #tpu.memory_space<vmem>>
        %dma_wait3A_572 = arith.constant 0 : i32
        %dma_wait3A_573 = arith.constant 0 : i32
        %dma_wait3A_574 = tpu.memref_slice %arg4[%sub3A_563, %dma_wait3A_572, %mul3A_565, %dma_wait3A_573] : memref<50x8x1024x128xf32, #tpu.memory_space<hbm>> -> memref<1x8x16x128xf32, #tpu.memory_space<hbm>>
        %dma_wait3A_575 = tpu.memref_squeeze %dma_wait3A_574 : memref<1x8x16x128xf32, #tpu.memory_space<hbm>> -> memref<8x16x128xf32, #tpu.memory_space<hbm>>
        %dma_wait3A_576 = arith.constant 0 : i32
        %dma_wait3A_577 = arith.constant 0 : i32
        %dma_wait3A_578 = tpu.memref_slice %arg4[%sub3A_563, %dma_wait3A_576, %mul3A_565, %dma_wait3A_577] : memref<50x8x1024x128xf32, #tpu.memory_space<hbm>> -> memref<1x8x16x128xf32, #tpu.memory_space<hbm>>
        %dma_wait3A_579 = tpu.memref_squeeze %dma_wait3A_578 : memref<1x8x16x128xf32, #tpu.memory_space<hbm>> -> memref<8x16x128xf32, #tpu.memory_space<hbm>>
        %dma_wait3A_580 = arith.constant 0 : i32
        %dma_wait3A_581 = arith.constant 0 : i32
        %dma_wait3A_582 = arith.constant 0 : i32
        %dma_wait3A_583 = tpu.memref_slice %arg7[%dma_wait3A_566, %dma_wait3A_580, %dma_wait3A_581, %dma_wait3A_582] : memref<2x8x16x129xf32, #tpu.memory_space<vmem>> -> memref<1x8x16x128xf32, #tpu.memory_space<vmem>>
        %dma_wait3A_584 = tpu.memref_squeeze %dma_wait3A_583 : memref<1x8x16x128xf32, #tpu.memory_space<vmem>> -> memref<8x16x128xf32, #tpu.memory_space<vmem>>
        tpu.wait_dma2 semaphore(%arg11 : memref<!tpu.dma_semaphore, #tpu.memory_space<semaphore_mem>>) src(%dma_wait3A_584 : memref<8x16x128xf32, #tpu.memory_space<vmem>>) dst(%dma_wait3A_579 : memref<8x16x128xf32, #tpu.memory_space<hbm>>)
      } else {
      }
      %add3A_438 = arith.constant 256 : i32
      %add3A_439 = arith.addi %mul3A_2, %add3A_438 : i32
      %run_scoped3A_440 = arith.constant 1 : i32
      "tpu.region"() ({
        %run_scoped3A_562 = tpu.sem_alloc : memref<!tpu.dma_semaphore, #tpu.memory_space<semaphore_mem>>
        %dma_start3A_563 = arith.constant 0 : i32
        %dma_start3A_564 = tpu.memref_slice %arg5[%run_scoped3A_440, %dma_start3A_563] : memref<2x256xi32, #tpu.memory_space<vmem>> -> memref<1x256xi32, #tpu.memory_space<vmem>>
        %dma_start3A_565 = tpu.memref_squeeze %dma_start3A_564 : memref<1x256xi32, #tpu.memory_space<vmem>> -> memref<256xi32, #tpu.memory_space<vmem>>
        %dma_start3A_566 = tpu.memref_slice %arg2[%scan3A_409, %add3A_439] : memref<50x16384xi32, #tpu.memory_space<hbm>> -> memref<1x256xi32, #tpu.memory_space<hbm>>
        %dma_start3A_567 = tpu.memref_squeeze %dma_start3A_566 : memref<1x256xi32, #tpu.memory_space<hbm>> -> memref<256xi32, #tpu.memory_space<hbm>>
        %dma_start3A_568 = arith.constant 0 : i32
        %dma_start3A_569 = tpu.memref_slice %arg5[%run_scoped3A_440, %dma_start3A_568] : memref<2x256xi32, #tpu.memory_space<vmem>> -> memref<1x256xi32, #tpu.memory_space<vmem>>
        %dma_start3A_570 = tpu.memref_squeeze %dma_start3A_569 : memref<1x256xi32, #tpu.memory_space<vmem>> -> memref<256xi32, #tpu.memory_space<vmem>>
        %dma_start3A_571 = tpu.memref_slice %arg2[%scan3A_409, %add3A_439] : memref<50x16384xi32, #tpu.memory_space<hbm>> -> memref<1x256xi32, #tpu.memory_space<hbm>>
        %dma_start3A_572 = tpu.memref_squeeze %dma_start3A_571 : memref<1x256xi32, #tpu.memory_space<hbm>> -> memref<256xi32, #tpu.memory_space<hbm>>
        tpu.enqueue_dma source(%dma_start3A_572 : memref<256xi32, #tpu.memory_space<hbm>>) target(%dma_start3A_570 : memref<256xi32, #tpu.memory_space<vmem>>) target_semaphore(%run_scoped3A_562 : memref<!tpu.dma_semaphore, #tpu.memory_space<semaphore_mem>>)
        %dma_wait3A_573 = arith.constant 0 : i32
        %dma_wait3A_574 = tpu.memref_slice %arg5[%run_scoped3A_440, %dma_wait3A_573] : memref<2x256xi32, #tpu.memory_space<vmem>> -> memref<1x256xi32, #tpu.memory_space<vmem>>
        %dma_wait3A_575 = tpu.memref_squeeze %dma_wait3A_574 : memref<1x256xi32, #tpu.memory_space<vmem>> -> memref<256xi32, #tpu.memory_space<vmem>>
        %dma_wait3A_576 = tpu.memref_slice %arg2[%scan3A_409, %add3A_439] : memref<50x16384xi32, #tpu.memory_space<hbm>> -> memref<1x256xi32, #tpu.memory_space<hbm>>
        %dma_wait3A_577 = tpu.memref_squeeze %dma_wait3A_576 : memref<1x256xi32, #tpu.memory_space<hbm>> -> memref<256xi32, #tpu.memory_space<hbm>>
        %dma_wait3A_578 = arith.constant 0 : i32
        %dma_wait3A_579 = tpu.memref_slice %arg5[%run_scoped3A_440, %dma_wait3A_578] : memref<2x256xi32, #tpu.memory_space<vmem>> -> memref<1x256xi32, #tpu.memory_space<vmem>>
        %dma_wait3A_580 = tpu.memref_squeeze %dma_wait3A_579 : memref<1x256xi32, #tpu.memory_space<vmem>> -> memref<256xi32, #tpu.memory_space<vmem>>
        %dma_wait3A_581 = tpu.memref_slice %arg2[%scan3A_409, %add3A_439] : memref<50x16384xi32, #tpu.memory_space<hbm>> -> memref<1x256xi32, #tpu.memory_space<hbm>>
        %dma_wait3A_582 = tpu.memref_squeeze %dma_wait3A_581 : memref<1x256xi32, #tpu.memory_space<hbm>> -> memref<256xi32, #tpu.memory_space<hbm>>
        tpu.wait_dma2 semaphore(%run_scoped3A_562 : memref<!tpu.dma_semaphore, #tpu.memory_space<semaphore_mem>>) src(%dma_wait3A_582 : memref<256xi32, #tpu.memory_space<hbm>>) dst(%dma_wait3A_580 : memref<256xi32, #tpu.memory_space<vmem>>)
        tpu.yield
      }) : () -> ()
      %dma_start3A_441 = arith.constant 1 : i32
      %dma_start3A_442 = arith.constant 1 : i32
      %dma_start3A_443 = arith.constant 0 : i32
      %dma_start3A_444 = arith.constant 0 : i32
      %dma_start3A_445 = tpu.memref_slice %arg6[%dma_start3A_442, %dma_start3A_443, %dma_start3A_444] : memref<2x256x64xf32, #tpu.memory_space<vmem>> -> memref<1x256x64xf32, #tpu.memory_space<vmem>>
      %dma_start3A_446 = tpu.memref_squeeze %dma_start3A_445 : memref<1x256x64xf32, #tpu.memory_space<vmem>> -> memref<256x64xf32, #tpu.memory_space<vmem>>
      %dma_start3A_447 = arith.constant 0 : i32
      %dma_start3A_448 = tpu.memref_slice %arg5[%dma_start3A_441, %dma_start3A_447] : memref<2x256xi32, #tpu.memory_space<vmem>> -> memref<1x256xi32, #tpu.memory_space<vmem>>
      %dma_start3A_449 = tpu.memref_squeeze %dma_start3A_448 : memref<1x256xi32, #tpu.memory_space<vmem>> -> memref<256xi32, #tpu.memory_space<vmem>>
      %dma_start3A_450 = arith.constant 0 : i32
      %dma_start3A_451 = arith.constant 0 : i32
      %dma_start3A_452 = tpu.memref_slice %arg3[%dma_start3A_450, %dma_start3A_451] : memref<1000000x64xf32, #tpu.memory_space<hbm>> -> memref<1000000x64xf32, #tpu.memory_space<hbm>>
      tpu.enqueue_indirect_dma source(%dma_start3A_452 : memref<1000000x64xf32, #tpu.memory_space<hbm>>) target(%dma_start3A_446 : memref<256x64xf32, #tpu.memory_space<vmem>>) offsets(%dma_start3A_449 : memref<256xi32, #tpu.memory_space<vmem>>) semaphore(%arg9 : memref<!tpu.dma_semaphore, #tpu.memory_space<semaphore_mem>>)
      %mul3A_453 = arith.constant 4 : i32
      %mul3A_454 = arith.muli %add3A, %mul3A_453 : i32
      %add3A_455 = arith.constant 0 : i32
      %add3A_456 = arith.addi %mul3A_454, %add3A_455 : i32
      %dma_wait3A_457 = arith.constant 0 : i32
      %dma_wait3A_458 = arith.constant 0 : i32
      %dma_wait3A_459 = arith.constant 0 : i32
      %dma_wait3A_460 = arith.constant 0 : i32
      %dma_wait3A_461 = tpu.memref_slice %arg6[%dma_wait3A_458, %dma_wait3A_459, %dma_wait3A_460] : memref<2x256x64xf32, #tpu.memory_space<vmem>> -> memref<1x256x64xf32, #tpu.memory_space<vmem>>
      %dma_wait3A_462 = tpu.memref_squeeze %dma_wait3A_461 : memref<1x256x64xf32, #tpu.memory_space<vmem>> -> memref<256x64xf32, #tpu.memory_space<vmem>>
      %dma_wait3A_463 = arith.constant 0 : i32
      %dma_wait3A_464 = tpu.memref_slice %arg5[%dma_wait3A_457, %dma_wait3A_463] : memref<2x256xi32, #tpu.memory_space<vmem>> -> memref<1x256xi32, #tpu.memory_space<vmem>>
      %dma_wait3A_465 = tpu.memref_squeeze %dma_wait3A_464 : memref<1x256xi32, #tpu.memory_space<vmem>> -> memref<256xi32, #tpu.memory_space<vmem>>
      %dma_wait3A_466 = arith.constant 0 : i32
      %dma_wait3A_467 = arith.constant 0 : i32
      %dma_wait3A_468 = tpu.memref_slice %arg3[%dma_wait3A_466, %dma_wait3A_467] : memref<1000000x64xf32, #tpu.memory_space<hbm>> -> memref<1000000x64xf32, #tpu.memory_space<hbm>>
      tpu.wait_indirect_dma semaphore(%arg8 : memref<!tpu.dma_semaphore, #tpu.memory_space<semaphore_mem>>) src(%dma_wait3A_468 : memref<1000000x64xf32, #tpu.memory_space<hbm>>) dst(%dma_wait3A_462 : memref<256x64xf32, #tpu.memory_space<vmem>>)
      %parallel_loop3A = arith.constant 0 : i32
      %parallel_loop3A_469 = arith.constant 128 : i32
      %parallel_loop3A_470 = arith.constant 1 : i32
      %parallel_loop3A_471 = arith.constant 0 : i32
      %parallel_loop3A_472 = arith.constant 0 : i32
      scf.for %parallel_loop3A_562 = %parallel_loop3A to %parallel_loop3A_469 step %parallel_loop3A_470  : i32 {
        %parallel_loop3A_563 = arith.constant 0 : i32
        %parallel_loop3A_564 = vector.broadcast %parallel_loop3A_563 : i32 to vector<16xi32>
        %parallel_loop3A_565 = vector.broadcast %parallel_loop3A_562 : i32 to vector<16xi32>
        %parallel_loop3A_566 = arith.addi %parallel_loop3A_564, %parallel_loop3A_565 : vector<16xi32>
        %parallel_loop3A_567 = arith.constant 0 : i32
        %parallel_loop3A_568 = arith.addi %parallel_loop3A_567, %parallel_loop3A_562 : i32
        %parallel_loop3A_569 = arith.constant 0 : i32
        %parallel_loop3A_570 = arith.constant 0 : i32
        %parallel_loop3A_571 = tpu.memref_slice %arg6[%parallel_loop3A_471, %parallel_loop3A_569, %parallel_loop3A_570] : memref<2x256x64xf32, #tpu.memory_space<vmem>> -> memref<1x256x64xf32, #tpu.memory_space<vmem>>
        %parallel_loop3A_572 = tpu.memref_squeeze %parallel_loop3A_571 : memref<1x256x64xf32, #tpu.memory_space<vmem>> -> memref<256x64xf32, #tpu.memory_space<vmem>>
        %parallel_loop3A_573 = arith.index_cast %parallel_loop3A_568 : i32 to index
        %parallel_loop3A_574 = arith.constant 0 : index
        %parallel_loop3A_575 = tpu.vector_load %parallel_loop3A_572[%parallel_loop3A_573, %parallel_loop3A_574] {strides = array<i32>} : memref<256x64xf32, #tpu.memory_space<vmem>>, vector<16xf32>,
        %parallel_loop3A_576 = arith.constant 0 : i32
        %parallel_loop3A_577 = arith.constant 0 : i32
        %parallel_loop3A_578 = arith.constant 0 : i32
        %parallel_loop3A_579 = tpu.memref_slice %arg7[%parallel_loop3A_472, %parallel_loop3A_576, %parallel_loop3A_577, %parallel_loop3A_578] : memref<2x8x16x129xf32, #tpu.memory_space<vmem>> -> memref<1x8x16x129xf32, #tpu.memory_space<vmem>>
        %parallel_loop3A_580 = tpu.memref_squeeze %parallel_loop3A_579 : memref<1x8x16x129xf32, #tpu.memory_space<vmem>> -> memref<8x16x129xf32, #tpu.memory_space<vmem>>
        tpu.vector_store_idx %parallel_loop3A_580[%select_n3A, %add3A_156, %parallel_loop3A_566], %parallel_loop3A_575 : memref<8x16x129xf32, #tpu.memory_space<vmem>>[vector<16xi32>, vector<16xi32>, vector<16xi32>], vector<16xf32>,
        %parallel_loop3A_581 = arith.constant 0 : i32
        %parallel_loop3A_582 = arith.addi %parallel_loop3A_581, %parallel_loop3A_562 : i32
        %parallel_loop3A_583 = arith.constant 0 : i32
        %parallel_loop3A_584 = arith.constant 0 : i32
        %parallel_loop3A_585 = tpu.memref_slice %arg6[%parallel_loop3A_471, %parallel_loop3A_583, %parallel_loop3A_584] : memref<2x256x64xf32, #tpu.memory_space<vmem>> -> memref<1x256x64xf32, #tpu.memory_space<vmem>>
        %parallel_loop3A_586 = tpu.memref_squeeze %parallel_loop3A_585 : memref<1x256x64xf32, #tpu.memory_space<vmem>> -> memref<256x64xf32, #tpu.memory_space<vmem>>
        %parallel_loop3A_587 = arith.index_cast %parallel_loop3A_582 : i32 to index
        %parallel_loop3A_588 = arith.constant 16 : index
        %parallel_loop3A_589 = tpu.vector_load %parallel_loop3A_586[%parallel_loop3A_587, %parallel_loop3A_588] {strides = array<i32>} : memref<256x64xf32, #tpu.memory_space<vmem>>, vector<16xf32>,
        %parallel_loop3A_590 = arith.constant 0 : i32
        %parallel_loop3A_591 = arith.constant 0 : i32
        %parallel_loop3A_592 = arith.constant 0 : i32
        %parallel_loop3A_593 = tpu.memref_slice %arg7[%parallel_loop3A_472, %parallel_loop3A_590, %parallel_loop3A_591, %parallel_loop3A_592] : memref<2x8x16x129xf32, #tpu.memory_space<vmem>> -> memref<1x8x16x129xf32, #tpu.memory_space<vmem>>
        %parallel_loop3A_594 = tpu.memref_squeeze %parallel_loop3A_593 : memref<1x8x16x129xf32, #tpu.memory_space<vmem>> -> memref<8x16x129xf32, #tpu.memory_space<vmem>>
        tpu.vector_store_idx %parallel_loop3A_594[%select_n3A_62, %add3A_184, %parallel_loop3A_566], %parallel_loop3A_589 : memref<8x16x129xf32, #tpu.memory_space<vmem>>[vector<16xi32>, vector<16xi32>, vector<16xi32>], vector<16xf32>,
        %parallel_loop3A_595 = arith.constant 0 : i32
        %parallel_loop3A_596 = arith.addi %parallel_loop3A_595, %parallel_loop3A_562 : i32
        %parallel_loop3A_597 = arith.constant 0 : i32
        %parallel_loop3A_598 = arith.constant 0 : i32
        %parallel_loop3A_599 = tpu.memref_slice %arg6[%parallel_loop3A_471, %parallel_loop3A_597, %parallel_loop3A_598] : memref<2x256x64xf32, #tpu.memory_space<vmem>> -> memref<1x256x64xf32, #tpu.memory_space<vmem>>
        %parallel_loop3A_600 = tpu.memref_squeeze %parallel_loop3A_599 : memref<1x256x64xf32, #tpu.memory_space<vmem>> -> memref<256x64xf32, #tpu.memory_space<vmem>>
        %parallel_loop3A_601 = arith.index_cast %parallel_loop3A_596 : i32 to index
        %parallel_loop3A_602 = arith.constant 32 : index
        %parallel_loop3A_603 = tpu.vector_load %parallel_loop3A_600[%parallel_loop3A_601, %parallel_loop3A_602] {strides = array<i32>} : memref<256x64xf32, #tpu.memory_space<vmem>>, vector<16xf32>,
        %parallel_loop3A_604 = arith.constant 0 : i32
        %parallel_loop3A_605 = arith.constant 0 : i32
        %parallel_loop3A_606 = arith.constant 0 : i32
        %parallel_loop3A_607 = tpu.memref_slice %arg7[%parallel_loop3A_472, %parallel_loop3A_604, %parallel_loop3A_605, %parallel_loop3A_606] : memref<2x8x16x129xf32, #tpu.memory_space<vmem>> -> memref<1x8x16x129xf32, #tpu.memory_space<vmem>>
        %parallel_loop3A_608 = tpu.memref_squeeze %parallel_loop3A_607 : memref<1x8x16x129xf32, #tpu.memory_space<vmem>> -> memref<8x16x129xf32, #tpu.memory_space<vmem>>
        tpu.vector_store_idx %parallel_loop3A_608[%select_n3A_96, %add3A_212, %parallel_loop3A_566], %parallel_loop3A_603 : memref<8x16x129xf32, #tpu.memory_space<vmem>>[vector<16xi32>, vector<16xi32>, vector<16xi32>], vector<16xf32>,
        %parallel_loop3A_609 = arith.constant 0 : i32
        %parallel_loop3A_610 = arith.addi %parallel_loop3A_609, %parallel_loop3A_562 : i32
        %parallel_loop3A_611 = arith.constant 0 : i32
        %parallel_loop3A_612 = arith.constant 0 : i32
        %parallel_loop3A_613 = tpu.memref_slice %arg6[%parallel_loop3A_471, %parallel_loop3A_611, %parallel_loop3A_612] : memref<2x256x64xf32, #tpu.memory_space<vmem>> -> memref<1x256x64xf32, #tpu.memory_space<vmem>>
        %parallel_loop3A_614 = tpu.memref_squeeze %parallel_loop3A_613 : memref<1x256x64xf32, #tpu.memory_space<vmem>> -> memref<256x64xf32, #tpu.memory_space<vmem>>
        %parallel_loop3A_615 = arith.index_cast %parallel_loop3A_610 : i32 to index
        %parallel_loop3A_616 = arith.constant 48 : index
        %parallel_loop3A_617 = tpu.vector_load %parallel_loop3A_614[%parallel_loop3A_615, %parallel_loop3A_616] {strides = array<i32>} : memref<256x64xf32, #tpu.memory_space<vmem>>, vector<16xf32>,
        %parallel_loop3A_618 = arith.constant 0 : i32
        %parallel_loop3A_619 = arith.constant 0 : i32
        %parallel_loop3A_620 = arith.constant 0 : i32
        %parallel_loop3A_621 = tpu.memref_slice %arg7[%parallel_loop3A_472, %parallel_loop3A_618, %parallel_loop3A_619, %parallel_loop3A_620] : memref<2x8x16x129xf32, #tpu.memory_space<vmem>> -> memref<1x8x16x129xf32, #tpu.memory_space<vmem>>
        %parallel_loop3A_622 = tpu.memref_squeeze %parallel_loop3A_621 : memref<1x8x16x129xf32, #tpu.memory_space<vmem>> -> memref<8x16x129xf32, #tpu.memory_space<vmem>>
        tpu.vector_store_idx %parallel_loop3A_622[%select_n3A_130, %add3A_240, %parallel_loop3A_566], %parallel_loop3A_617 : memref<8x16x129xf32, #tpu.memory_space<vmem>>[vector<16xi32>, vector<16xi32>, vector<16xi32>], vector<16xf32>,
      } {sc.loop_unroll_factor = 4 : i64, sc.parallel_access}
      %parallel_loop3A_473 = arith.constant 0 : i32
      %parallel_loop3A_474 = arith.constant 128 : i32
      %parallel_loop3A_475 = arith.constant 1 : i32
      %parallel_loop3A_476 = arith.constant 0 : i32
      %parallel_loop3A_477 = arith.constant 0 : i32
      scf.for %parallel_loop3A_562 = %parallel_loop3A_473 to %parallel_loop3A_474 step %parallel_loop3A_475  : i32 {
        %parallel_loop3A_563 = arith.constant 0 : i32
        %parallel_loop3A_564 = vector.broadcast %parallel_loop3A_563 : i32 to vector<16xi32>
        %parallel_loop3A_565 = vector.broadcast %parallel_loop3A_562 : i32 to vector<16xi32>
        %parallel_loop3A_566 = arith.addi %parallel_loop3A_564, %parallel_loop3A_565 : vector<16xi32>
        %parallel_loop3A_567 = arith.constant 128 : i32
        %parallel_loop3A_568 = arith.addi %parallel_loop3A_567, %parallel_loop3A_562 : i32
        %parallel_loop3A_569 = arith.constant 0 : i32
        %parallel_loop3A_570 = arith.constant 0 : i32
        %parallel_loop3A_571 = tpu.memref_slice %arg6[%parallel_loop3A_476, %parallel_loop3A_569, %parallel_loop3A_570] : memref<2x256x64xf32, #tpu.memory_space<vmem>> -> memref<1x256x64xf32, #tpu.memory_space<vmem>>
        %parallel_loop3A_572 = tpu.memref_squeeze %parallel_loop3A_571 : memref<1x256x64xf32, #tpu.memory_space<vmem>> -> memref<256x64xf32, #tpu.memory_space<vmem>>
        %parallel_loop3A_573 = arith.index_cast %parallel_loop3A_568 : i32 to index
        %parallel_loop3A_574 = arith.constant 0 : index
        %parallel_loop3A_575 = tpu.vector_load %parallel_loop3A_572[%parallel_loop3A_573, %parallel_loop3A_574] {strides = array<i32>} : memref<256x64xf32, #tpu.memory_space<vmem>>, vector<16xf32>,
        %parallel_loop3A_576 = arith.constant 0 : i32
        %parallel_loop3A_577 = arith.constant 0 : i32
        %parallel_loop3A_578 = arith.constant 0 : i32
        %parallel_loop3A_579 = tpu.memref_slice %arg7[%parallel_loop3A_477, %parallel_loop3A_576, %parallel_loop3A_577, %parallel_loop3A_578] : memref<2x8x16x129xf32, #tpu.memory_space<vmem>> -> memref<1x8x16x129xf32, #tpu.memory_space<vmem>>
        %parallel_loop3A_580 = tpu.memref_squeeze %parallel_loop3A_579 : memref<1x8x16x129xf32, #tpu.memory_space<vmem>> -> memref<8x16x129xf32, #tpu.memory_space<vmem>>
        tpu.vector_store_idx %parallel_loop3A_580[%select_n3A, %add3A_268, %parallel_loop3A_566], %parallel_loop3A_575 : memref<8x16x129xf32, #tpu.memory_space<vmem>>[vector<16xi32>, vector<16xi32>, vector<16xi32>], vector<16xf32>,
        %parallel_loop3A_581 = arith.constant 128 : i32
        %parallel_loop3A_582 = arith.addi %parallel_loop3A_581, %parallel_loop3A_562 : i32
        %parallel_loop3A_583 = arith.constant 0 : i32
        %parallel_loop3A_584 = arith.constant 0 : i32
        %parallel_loop3A_585 = tpu.memref_slice %arg6[%parallel_loop3A_476, %parallel_loop3A_583, %parallel_loop3A_584] : memref<2x256x64xf32, #tpu.memory_space<vmem>> -> memref<1x256x64xf32, #tpu.memory_space<vmem>>
        %parallel_loop3A_586 = tpu.memref_squeeze %parallel_loop3A_585 : memref<1x256x64xf32, #tpu.memory_space<vmem>> -> memref<256x64xf32, #tpu.memory_space<vmem>>
        %parallel_loop3A_587 = arith.index_cast %parallel_loop3A_582 : i32 to index
        %parallel_loop3A_588 = arith.constant 16 : index
        %parallel_loop3A_589 = tpu.vector_load %parallel_loop3A_586[%parallel_loop3A_587, %parallel_loop3A_588] {strides = array<i32>} : memref<256x64xf32, #tpu.memory_space<vmem>>, vector<16xf32>,
        %parallel_loop3A_590 = arith.constant 0 : i32
        %parallel_loop3A_591 = arith.constant 0 : i32
        %parallel_loop3A_592 = arith.constant 0 : i32
        %parallel_loop3A_593 = tpu.memref_slice %arg7[%parallel_loop3A_477, %parallel_loop3A_590, %parallel_loop3A_591, %parallel_loop3A_592] : memref<2x8x16x129xf32, #tpu.memory_space<vmem>> -> memref<1x8x16x129xf32, #tpu.memory_space<vmem>>
        %parallel_loop3A_594 = tpu.memref_squeeze %parallel_loop3A_593 : memref<1x8x16x129xf32, #tpu.memory_space<vmem>> -> memref<8x16x129xf32, #tpu.memory_space<vmem>>
        tpu.vector_store_idx %parallel_loop3A_594[%select_n3A_62, %add3A_296, %parallel_loop3A_566], %parallel_loop3A_589 : memref<8x16x129xf32, #tpu.memory_space<vmem>>[vector<16xi32>, vector<16xi32>, vector<16xi32>], vector<16xf32>,
        %parallel_loop3A_595 = arith.constant 128 : i32
        %parallel_loop3A_596 = arith.addi %parallel_loop3A_595, %parallel_loop3A_562 : i32
        %parallel_loop3A_597 = arith.constant 0 : i32
        %parallel_loop3A_598 = arith.constant 0 : i32
        %parallel_loop3A_599 = tpu.memref_slice %arg6[%parallel_loop3A_476, %parallel_loop3A_597, %parallel_loop3A_598] : memref<2x256x64xf32, #tpu.memory_space<vmem>> -> memref<1x256x64xf32, #tpu.memory_space<vmem>>
        %parallel_loop3A_600 = tpu.memref_squeeze %parallel_loop3A_599 : memref<1x256x64xf32, #tpu.memory_space<vmem>> -> memref<256x64xf32, #tpu.memory_space<vmem>>
        %parallel_loop3A_601 = arith.index_cast %parallel_loop3A_596 : i32 to index
        %parallel_loop3A_602 = arith.constant 32 : index
        %parallel_loop3A_603 = tpu.vector_load %parallel_loop3A_600[%parallel_loop3A_601, %parallel_loop3A_602] {strides = array<i32>} : memref<256x64xf32, #tpu.memory_space<vmem>>, vector<16xf32>,
        %parallel_loop3A_604 = arith.constant 0 : i32
        %parallel_loop3A_605 = arith.constant 0 : i32
        %parallel_loop3A_606 = arith.constant 0 : i32
        %parallel_loop3A_607 = tpu.memref_slice %arg7[%parallel_loop3A_477, %parallel_loop3A_604, %parallel_loop3A_605, %parallel_loop3A_606] : memref<2x8x16x129xf32, #tpu.memory_space<vmem>> -> memref<1x8x16x129xf32, #tpu.memory_space<vmem>>
        %parallel_loop3A_608 = tpu.memref_squeeze %parallel_loop3A_607 : memref<1x8x16x129xf32, #tpu.memory_space<vmem>> -> memref<8x16x129xf32, #tpu.memory_space<vmem>>
        tpu.vector_store_idx %parallel_loop3A_608[%select_n3A_96, %add3A_324, %parallel_loop3A_566], %parallel_loop3A_603 : memref<8x16x129xf32, #tpu.memory_space<vmem>>[vector<16xi32>, vector<16xi32>, vector<16xi32>], vector<16xf32>,
        %parallel_loop3A_609 = arith.constant 128 : i32
        %parallel_loop3A_610 = arith.addi %parallel_loop3A_609, %parallel_loop3A_562 : i32
        %parallel_loop3A_611 = arith.constant 0 : i32
        %parallel_loop3A_612 = arith.constant 0 : i32
        %parallel_loop3A_613 = tpu.memref_slice %arg6[%parallel_loop3A_476, %parallel_loop3A_611, %parallel_loop3A_612] : memref<2x256x64xf32, #tpu.memory_space<vmem>> -> memref<1x256x64xf32, #tpu.memory_space<vmem>>
        %parallel_loop3A_614 = tpu.memref_squeeze %parallel_loop3A_613 : memref<1x256x64xf32, #tpu.memory_space<vmem>> -> memref<256x64xf32, #tpu.memory_space<vmem>>
        %parallel_loop3A_615 = arith.index_cast %parallel_loop3A_610 : i32 to index
        %parallel_loop3A_616 = arith.constant 48 : index
        %parallel_loop3A_617 = tpu.vector_load %parallel_loop3A_614[%parallel_loop3A_615, %parallel_loop3A_616] {strides = array<i32>} : memref<256x64xf32, #tpu.memory_space<vmem>>, vector<16xf32>,
        %parallel_loop3A_618 = arith.constant 0 : i32
        %parallel_loop3A_619 = arith.constant 0 : i32
        %parallel_loop3A_620 = arith.constant 0 : i32
        %parallel_loop3A_621 = tpu.memref_slice %arg7[%parallel_loop3A_477, %parallel_loop3A_618, %parallel_loop3A_619, %parallel_loop3A_620] : memref<2x8x16x129xf32, #tpu.memory_space<vmem>> -> memref<1x8x16x129xf32, #tpu.memory_space<vmem>>
        %parallel_loop3A_622 = tpu.memref_squeeze %parallel_loop3A_621 : memref<1x8x16x129xf32, #tpu.memory_space<vmem>> -> memref<8x16x129xf32, #tpu.memory_space<vmem>>
        tpu.vector_store_idx %parallel_loop3A_622[%select_n3A_130, %add3A_352, %parallel_loop3A_566], %parallel_loop3A_617 : memref<8x16x129xf32, #tpu.memory_space<vmem>>[vector<16xi32>, vector<16xi32>, vector<16xi32>], vector<16xf32>,
      } {sc.loop_unroll_factor = 4 : i64, sc.parallel_access}
      %mul3A_478 = arith.constant 8 : i32
      %mul3A_479 = arith.muli %add3A_456, %mul3A_478 : i32
      %dma_start3A_480 = arith.constant 0 : i32
      %dma_start3A_481 = arith.constant 0 : i32
      %dma_start3A_482 = arith.constant 0 : i32
      %dma_start3A_483 = arith.constant 0 : i32
      %dma_start3A_484 = tpu.memref_slice %arg7[%dma_start3A_480, %dma_start3A_481, %dma_start3A_482, %dma_start3A_483] : memref<2x8x16x129xf32, #tpu.memory_space<vmem>> -> memref<1x8x16x129xf32, #tpu.memory_space<vmem>>
      %dma_start3A_485 = tpu.memref_squeeze %dma_start3A_484 : memref<1x8x16x129xf32, #tpu.memory_space<vmem>> -> memref<8x16x129xf32, #tpu.memory_space<vmem>>
      %dma_start3A_486 = arith.constant 0 : i32
      %dma_start3A_487 = arith.constant 0 : i32
      %dma_start3A_488 = arith.constant 0 : i32
      %dma_start3A_489 = tpu.memref_slice %dma_start3A_485[%dma_start3A_486, %dma_start3A_487, %dma_start3A_488] : memref<8x16x129xf32, #tpu.memory_space<vmem>> -> memref<8x16x128xf32, #tpu.memory_space<vmem>>
      %dma_start3A_490 = arith.constant 0 : i32
      %dma_start3A_491 = arith.constant 0 : i32
      %dma_start3A_492 = tpu.memref_slice %arg4[%scan3A_409, %dma_start3A_490, %mul3A_479, %dma_start3A_491] : memref<50x8x1024x128xf32, #tpu.memory_space<hbm>> -> memref<1x8x16x128xf32, #tpu.memory_space<hbm>>
      %dma_start3A_493 = tpu.memref_squeeze %dma_start3A_492 : memref<1x8x16x128xf32, #tpu.memory_space<hbm>> -> memref<8x16x128xf32, #tpu.memory_space<hbm>>
      %dma_start3A_494 = arith.constant 0 : i32
      %dma_start3A_495 = arith.constant 0 : i32
      %dma_start3A_496 = tpu.memref_slice %arg4[%scan3A_409, %dma_start3A_494, %mul3A_479, %dma_start3A_495] : memref<50x8x1024x128xf32, #tpu.memory_space<hbm>> -> memref<1x8x16x128xf32, #tpu.memory_space<hbm>>
      %dma_start3A_497 = tpu.memref_squeeze %dma_start3A_496 : memref<1x8x16x128xf32, #tpu.memory_space<hbm>> -> memref<8x16x128xf32, #tpu.memory_space<hbm>>
      %dma_start3A_498 = arith.constant 0 : i32
      %dma_start3A_499 = arith.constant 0 : i32
      %dma_start3A_500 = arith.constant 0 : i32
      %dma_start3A_501 = tpu.memref_slice %arg7[%dma_start3A_480, %dma_start3A_498, %dma_start3A_499, %dma_start3A_500] : memref<2x8x16x129xf32, #tpu.memory_space<vmem>> -> memref<1x8x16x129xf32, #tpu.memory_space<vmem>>
      %dma_start3A_502 = tpu.memref_squeeze %dma_start3A_501 : memref<1x8x16x129xf32, #tpu.memory_space<vmem>> -> memref<8x16x129xf32, #tpu.memory_space<vmem>>
      %dma_start3A_503 = arith.constant 0 : i32
      %dma_start3A_504 = arith.constant 0 : i32
      %dma_start3A_505 = arith.constant 0 : i32
      %dma_start3A_506 = tpu.memref_slice %dma_start3A_502[%dma_start3A_503, %dma_start3A_504, %dma_start3A_505] : memref<8x16x129xf32, #tpu.memory_space<vmem>> -> memref<8x16x128xf32, #tpu.memory_space<vmem>>
      tpu.enqueue_dma source(%dma_start3A_506 : memref<8x16x128xf32, #tpu.memory_space<vmem>>) target(%dma_start3A_497 : memref<8x16x128xf32, #tpu.memory_space<hbm>>) target_semaphore(%arg10 : memref<!tpu.dma_semaphore, #tpu.memory_space<semaphore_mem>>)
      %mul3A_507 = arith.constant 4 : i32
      %mul3A_508 = arith.muli %add3A, %mul3A_507 : i32
      %add3A_509 = arith.constant 2 : i32
      %add3A_510 = arith.addi %mul3A_508, %add3A_509 : i32
      %dma_wait3A_511 = arith.constant 1 : i32
      %dma_wait3A_512 = arith.constant 1 : i32
      %dma_wait3A_513 = arith.constant 0 : i32
      %dma_wait3A_514 = arith.constant 0 : i32
      %dma_wait3A_515 = tpu.memref_slice %arg6[%dma_wait3A_512, %dma_wait3A_513, %dma_wait3A_514] : memref<2x256x64xf32, #tpu.memory_space<vmem>> -> memref<1x256x64xf32, #tpu.memory_space<vmem>>
      %dma_wait3A_516 = tpu.memref_squeeze %dma_wait3A_515 : memref<1x256x64xf32, #tpu.memory_space<vmem>> -> memref<256x64xf32, #tpu.memory_space<vmem>>
      %dma_wait3A_517 = arith.constant 0 : i32
      %dma_wait3A_518 = tpu.memref_slice %arg5[%dma_wait3A_511, %dma_wait3A_517] : memref<2x256xi32, #tpu.memory_space<vmem>> -> memref<1x256xi32, #tpu.memory_space<vmem>>
      %dma_wait3A_519 = tpu.memref_squeeze %dma_wait3A_518 : memref<1x256xi32, #tpu.memory_space<vmem>> -> memref<256xi32, #tpu.memory_space<vmem>>
      %dma_wait3A_520 = arith.constant 0 : i32
      %dma_wait3A_521 = arith.constant 0 : i32
      %dma_wait3A_522 = tpu.memref_slice %arg3[%dma_wait3A_520, %dma_wait3A_521] : memref<1000000x64xf32, #tpu.memory_space<hbm>> -> memref<1000000x64xf32, #tpu.memory_space<hbm>>
      tpu.wait_indirect_dma semaphore(%arg9 : memref<!tpu.dma_semaphore, #tpu.memory_space<semaphore_mem>>) src(%dma_wait3A_522 : memref<1000000x64xf32, #tpu.memory_space<hbm>>) dst(%dma_wait3A_516 : memref<256x64xf32, #tpu.memory_space<vmem>>)
      %parallel_loop3A_523 = arith.constant 0 : i32
      %parallel_loop3A_524 = arith.constant 128 : i32
      %parallel_loop3A_525 = arith.constant 1 : i32
      %parallel_loop3A_526 = arith.constant 1 : i32
      %parallel_loop3A_527 = arith.constant 1 : i32
      scf.for %parallel_loop3A_562 = %parallel_loop3A_523 to %parallel_loop3A_524 step %parallel_loop3A_525  : i32 {
        %parallel_loop3A_563 = arith.constant 0 : i32
        %parallel_loop3A_564 = vector.broadcast %parallel_loop3A_563 : i32 to vector<16xi32>
        %parallel_loop3A_565 = vector.broadcast %parallel_loop3A_562 : i32 to vector<16xi32>
        %parallel_loop3A_566 = arith.addi %parallel_loop3A_564, %parallel_loop3A_565 : vector<16xi32>
        %parallel_loop3A_567 = arith.constant 0 : i32
        %parallel_loop3A_568 = arith.addi %parallel_loop3A_567, %parallel_loop3A_562 : i32
        %parallel_loop3A_569 = arith.constant 0 : i32
        %parallel_loop3A_570 = arith.constant 0 : i32
        %parallel_loop3A_571 = tpu.memref_slice %arg6[%parallel_loop3A_526, %parallel_loop3A_569, %parallel_loop3A_570] : memref<2x256x64xf32, #tpu.memory_space<vmem>> -> memref<1x256x64xf32, #tpu.memory_space<vmem>>
        %parallel_loop3A_572 = tpu.memref_squeeze %parallel_loop3A_571 : memref<1x256x64xf32, #tpu.memory_space<vmem>> -> memref<256x64xf32, #tpu.memory_space<vmem>>
        %parallel_loop3A_573 = arith.index_cast %parallel_loop3A_568 : i32 to index
        %parallel_loop3A_574 = arith.constant 0 : index
        %parallel_loop3A_575 = tpu.vector_load %parallel_loop3A_572[%parallel_loop3A_573, %parallel_loop3A_574] {strides = array<i32>} : memref<256x64xf32, #tpu.memory_space<vmem>>, vector<16xf32>,
        %parallel_loop3A_576 = arith.constant 0 : i32
        %parallel_loop3A_577 = arith.constant 0 : i32
        %parallel_loop3A_578 = arith.constant 0 : i32
        %parallel_loop3A_579 = tpu.memref_slice %arg7[%parallel_loop3A_527, %parallel_loop3A_576, %parallel_loop3A_577, %parallel_loop3A_578] : memref<2x8x16x129xf32, #tpu.memory_space<vmem>> -> memref<1x8x16x129xf32, #tpu.memory_space<vmem>>
        %parallel_loop3A_580 = tpu.memref_squeeze %parallel_loop3A_579 : memref<1x8x16x129xf32, #tpu.memory_space<vmem>> -> memref<8x16x129xf32, #tpu.memory_space<vmem>>
        tpu.vector_store_idx %parallel_loop3A_580[%select_n3A, %add3A_156, %parallel_loop3A_566], %parallel_loop3A_575 : memref<8x16x129xf32, #tpu.memory_space<vmem>>[vector<16xi32>, vector<16xi32>, vector<16xi32>], vector<16xf32>,
        %parallel_loop3A_581 = arith.constant 0 : i32
        %parallel_loop3A_582 = arith.addi %parallel_loop3A_581, %parallel_loop3A_562 : i32
        %parallel_loop3A_583 = arith.constant 0 : i32
        %parallel_loop3A_584 = arith.constant 0 : i32
        %parallel_loop3A_585 = tpu.memref_slice %arg6[%parallel_loop3A_526, %parallel_loop3A_583, %parallel_loop3A_584] : memref<2x256x64xf32, #tpu.memory_space<vmem>> -> memref<1x256x64xf32, #tpu.memory_space<vmem>>
        %parallel_loop3A_586 = tpu.memref_squeeze %parallel_loop3A_585 : memref<1x256x64xf32, #tpu.memory_space<vmem>> -> memref<256x64xf32, #tpu.memory_space<vmem>>
        %parallel_loop3A_587 = arith.index_cast %parallel_loop3A_582 : i32 to index
        %parallel_loop3A_588 = arith.constant 16 : index
        %parallel_loop3A_589 = tpu.vector_load %parallel_loop3A_586[%parallel_loop3A_587, %parallel_loop3A_588] {strides = array<i32>} : memref<256x64xf32, #tpu.memory_space<vmem>>, vector<16xf32>,
        %parallel_loop3A_590 = arith.constant 0 : i32
        %parallel_loop3A_591 = arith.constant 0 : i32
        %parallel_loop3A_592 = arith.constant 0 : i32
        %parallel_loop3A_593 = tpu.memref_slice %arg7[%parallel_loop3A_527, %parallel_loop3A_590, %parallel_loop3A_591, %parallel_loop3A_592] : memref<2x8x16x129xf32, #tpu.memory_space<vmem>> -> memref<1x8x16x129xf32, #tpu.memory_space<vmem>>
        %parallel_loop3A_594 = tpu.memref_squeeze %parallel_loop3A_593 : memref<1x8x16x129xf32, #tpu.memory_space<vmem>> -> memref<8x16x129xf32, #tpu.memory_space<vmem>>
        tpu.vector_store_idx %parallel_loop3A_594[%select_n3A_62, %add3A_184, %parallel_loop3A_566], %parallel_loop3A_589 : memref<8x16x129xf32, #tpu.memory_space<vmem>>[vector<16xi32>, vector<16xi32>, vector<16xi32>], vector<16xf32>,
        %parallel_loop3A_595 = arith.constant 0 : i32
        %parallel_loop3A_596 = arith.addi %parallel_loop3A_595, %parallel_loop3A_562 : i32
        %parallel_loop3A_597 = arith.constant 0 : i32
        %parallel_loop3A_598 = arith.constant 0 : i32
        %parallel_loop3A_599 = tpu.memref_slice %arg6[%parallel_loop3A_526, %parallel_loop3A_597, %parallel_loop3A_598] : memref<2x256x64xf32, #tpu.memory_space<vmem>> -> memref<1x256x64xf32, #tpu.memory_space<vmem>>
        %parallel_loop3A_600 = tpu.memref_squeeze %parallel_loop3A_599 : memref<1x256x64xf32, #tpu.memory_space<vmem>> -> memref<256x64xf32, #tpu.memory_space<vmem>>
        %parallel_loop3A_601 = arith.index_cast %parallel_loop3A_596 : i32 to index
        %parallel_loop3A_602 = arith.constant 32 : index
        %parallel_loop3A_603 = tpu.vector_load %parallel_loop3A_600[%parallel_loop3A_601, %parallel_loop3A_602] {strides = array<i32>} : memref<256x64xf32, #tpu.memory_space<vmem>>, vector<16xf32>,
        %parallel_loop3A_604 = arith.constant 0 : i32
        %parallel_loop3A_605 = arith.constant 0 : i32
        %parallel_loop3A_606 = arith.constant 0 : i32
        %parallel_loop3A_607 = tpu.memref_slice %arg7[%parallel_loop3A_527, %parallel_loop3A_604, %parallel_loop3A_605, %parallel_loop3A_606] : memref<2x8x16x129xf32, #tpu.memory_space<vmem>> -> memref<1x8x16x129xf32, #tpu.memory_space<vmem>>
        %parallel_loop3A_608 = tpu.memref_squeeze %parallel_loop3A_607 : memref<1x8x16x129xf32, #tpu.memory_space<vmem>> -> memref<8x16x129xf32, #tpu.memory_space<vmem>>
        tpu.vector_store_idx %parallel_loop3A_608[%select_n3A_96, %add3A_212, %parallel_loop3A_566], %parallel_loop3A_603 : memref<8x16x129xf32, #tpu.memory_space<vmem>>[vector<16xi32>, vector<16xi32>, vector<16xi32>], vector<16xf32>,
        %parallel_loop3A_609 = arith.constant 0 : i32
        %parallel_loop3A_610 = arith.addi %parallel_loop3A_609, %parallel_loop3A_562 : i32
        %parallel_loop3A_611 = arith.constant 0 : i32
        %parallel_loop3A_612 = arith.constant 0 : i32
        %parallel_loop3A_613 = tpu.memref_slice %arg6[%parallel_loop3A_526, %parallel_loop3A_611, %parallel_loop3A_612] : memref<2x256x64xf32, #tpu.memory_space<vmem>> -> memref<1x256x64xf32, #tpu.memory_space<vmem>>
        %parallel_loop3A_614 = tpu.memref_squeeze %parallel_loop3A_613 : memref<1x256x64xf32, #tpu.memory_space<vmem>> -> memref<256x64xf32, #tpu.memory_space<vmem>>
        %parallel_loop3A_615 = arith.index_cast %parallel_loop3A_610 : i32 to index
        %parallel_loop3A_616 = arith.constant 48 : index
        %parallel_loop3A_617 = tpu.vector_load %parallel_loop3A_614[%parallel_loop3A_615, %parallel_loop3A_616] {strides = array<i32>} : memref<256x64xf32, #tpu.memory_space<vmem>>, vector<16xf32>,
        %parallel_loop3A_618 = arith.constant 0 : i32
        %parallel_loop3A_619 = arith.constant 0 : i32
        %parallel_loop3A_620 = arith.constant 0 : i32
        %parallel_loop3A_621 = tpu.memref_slice %arg7[%parallel_loop3A_527, %parallel_loop3A_618, %parallel_loop3A_619, %parallel_loop3A_620] : memref<2x8x16x129xf32, #tpu.memory_space<vmem>> -> memref<1x8x16x129xf32, #tpu.memory_space<vmem>>
        %parallel_loop3A_622 = tpu.memref_squeeze %parallel_loop3A_621 : memref<1x8x16x129xf32, #tpu.memory_space<vmem>> -> memref<8x16x129xf32, #tpu.memory_space<vmem>>
        tpu.vector_store_idx %parallel_loop3A_622[%select_n3A_130, %add3A_240, %parallel_loop3A_566], %parallel_loop3A_617 : memref<8x16x129xf32, #tpu.memory_space<vmem>>[vector<16xi32>, vector<16xi32>, vector<16xi32>], vector<16xf32>,
      } {sc.loop_unroll_factor = 4 : i64, sc.parallel_access}
      %parallel_loop3A_528 = arith.constant 0 : i32
      %parallel_loop3A_529 = arith.constant 128 : i32
      %parallel_loop3A_530 = arith.constant 1 : i32
      %parallel_loop3A_531 = arith.constant 1 : i32
      %parallel_loop3A_532 = arith.constant 1 : i32
      scf.for %parallel_loop3A_562 = %parallel_loop3A_528 to %parallel_loop3A_529 step %parallel_loop3A_530  : i32 {
        %parallel_loop3A_563 = arith.constant 0 : i32
        %parallel_loop3A_564 = vector.broadcast %parallel_loop3A_563 : i32 to vector<16xi32>
        %parallel_loop3A_565 = vector.broadcast %parallel_loop3A_562 : i32 to vector<16xi32>
        %parallel_loop3A_566 = arith.addi %parallel_loop3A_564, %parallel_loop3A_565 : vector<16xi32>
        %parallel_loop3A_567 = arith.constant 128 : i32
        %parallel_loop3A_568 = arith.addi %parallel_loop3A_567, %parallel_loop3A_562 : i32
        %parallel_loop3A_569 = arith.constant 0 : i32
        %parallel_loop3A_570 = arith.constant 0 : i32
        %parallel_loop3A_571 = tpu.memref_slice %arg6[%parallel_loop3A_531, %parallel_loop3A_569, %parallel_loop3A_570] : memref<2x256x64xf32, #tpu.memory_space<vmem>> -> memref<1x256x64xf32, #tpu.memory_space<vmem>>
        %parallel_loop3A_572 = tpu.memref_squeeze %parallel_loop3A_571 : memref<1x256x64xf32, #tpu.memory_space<vmem>> -> memref<256x64xf32, #tpu.memory_space<vmem>>
        %parallel_loop3A_573 = arith.index_cast %parallel_loop3A_568 : i32 to index
        %parallel_loop3A_574 = arith.constant 0 : index
        %parallel_loop3A_575 = tpu.vector_load %parallel_loop3A_572[%parallel_loop3A_573, %parallel_loop3A_574] {strides = array<i32>} : memref<256x64xf32, #tpu.memory_space<vmem>>, vector<16xf32>,
        %parallel_loop3A_576 = arith.constant 0 : i32
        %parallel_loop3A_577 = arith.constant 0 : i32
        %parallel_loop3A_578 = arith.constant 0 : i32
        %parallel_loop3A_579 = tpu.memref_slice %arg7[%parallel_loop3A_532, %parallel_loop3A_576, %parallel_loop3A_577, %parallel_loop3A_578] : memref<2x8x16x129xf32, #tpu.memory_space<vmem>> -> memref<1x8x16x129xf32, #tpu.memory_space<vmem>>
        %parallel_loop3A_580 = tpu.memref_squeeze %parallel_loop3A_579 : memref<1x8x16x129xf32, #tpu.memory_space<vmem>> -> memref<8x16x129xf32, #tpu.memory_space<vmem>>
        tpu.vector_store_idx %parallel_loop3A_580[%select_n3A, %add3A_268, %parallel_loop3A_566], %parallel_loop3A_575 : memref<8x16x129xf32, #tpu.memory_space<vmem>>[vector<16xi32>, vector<16xi32>, vector<16xi32>], vector<16xf32>,
        %parallel_loop3A_581 = arith.constant 128 : i32
        %parallel_loop3A_582 = arith.addi %parallel_loop3A_581, %parallel_loop3A_562 : i32
        %parallel_loop3A_583 = arith.constant 0 : i32
        %parallel_loop3A_584 = arith.constant 0 : i32
        %parallel_loop3A_585 = tpu.memref_slice %arg6[%parallel_loop3A_531, %parallel_loop3A_583, %parallel_loop3A_584] : memref<2x256x64xf32, #tpu.memory_space<vmem>> -> memref<1x256x64xf32, #tpu.memory_space<vmem>>
        %parallel_loop3A_586 = tpu.memref_squeeze %parallel_loop3A_585 : memref<1x256x64xf32, #tpu.memory_space<vmem>> -> memref<256x64xf32, #tpu.memory_space<vmem>>
        %parallel_loop3A_587 = arith.index_cast %parallel_loop3A_582 : i32 to index
        %parallel_loop3A_588 = arith.constant 16 : index
        %parallel_loop3A_589 = tpu.vector_load %parallel_loop3A_586[%parallel_loop3A_587, %parallel_loop3A_588] {strides = array<i32>} : memref<256x64xf32, #tpu.memory_space<vmem>>, vector<16xf32>,
        %parallel_loop3A_590 = arith.constant 0 : i32
        %parallel_loop3A_591 = arith.constant 0 : i32
        %parallel_loop3A_592 = arith.constant 0 : i32
        %parallel_loop3A_593 = tpu.memref_slice %arg7[%parallel_loop3A_532, %parallel_loop3A_590, %parallel_loop3A_591, %parallel_loop3A_592] : memref<2x8x16x129xf32, #tpu.memory_space<vmem>> -> memref<1x8x16x129xf32, #tpu.memory_space<vmem>>
        %parallel_loop3A_594 = tpu.memref_squeeze %parallel_loop3A_593 : memref<1x8x16x129xf32, #tpu.memory_space<vmem>> -> memref<8x16x129xf32, #tpu.memory_space<vmem>>
        tpu.vector_store_idx %parallel_loop3A_594[%select_n3A_62, %add3A_296, %parallel_loop3A_566], %parallel_loop3A_589 : memref<8x16x129xf32, #tpu.memory_space<vmem>>[vector<16xi32>, vector<16xi32>, vector<16xi32>], vector<16xf32>,
        %parallel_loop3A_595 = arith.constant 128 : i32
        %parallel_loop3A_596 = arith.addi %parallel_loop3A_595, %parallel_loop3A_562 : i32
        %parallel_loop3A_597 = arith.constant 0 : i32
        %parallel_loop3A_598 = arith.constant 0 : i32
        %parallel_loop3A_599 = tpu.memref_slice %arg6[%parallel_loop3A_531, %parallel_loop3A_597, %parallel_loop3A_598] : memref<2x256x64xf32, #tpu.memory_space<vmem>> -> memref<1x256x64xf32, #tpu.memory_space<vmem>>
        %parallel_loop3A_600 = tpu.memref_squeeze %parallel_loop3A_599 : memref<1x256x64xf32, #tpu.memory_space<vmem>> -> memref<256x64xf32, #tpu.memory_space<vmem>>
        %parallel_loop3A_601 = arith.index_cast %parallel_loop3A_596 : i32 to index
        %parallel_loop3A_602 = arith.constant 32 : index
        %parallel_loop3A_603 = tpu.vector_load %parallel_loop3A_600[%parallel_loop3A_601, %parallel_loop3A_602] {strides = array<i32>} : memref<256x64xf32, #tpu.memory_space<vmem>>, vector<16xf32>,
        %parallel_loop3A_604 = arith.constant 0 : i32
        %parallel_loop3A_605 = arith.constant 0 : i32
        %parallel_loop3A_606 = arith.constant 0 : i32
        %parallel_loop3A_607 = tpu.memref_slice %arg7[%parallel_loop3A_532, %parallel_loop3A_604, %parallel_loop3A_605, %parallel_loop3A_606] : memref<2x8x16x129xf32, #tpu.memory_space<vmem>> -> memref<1x8x16x129xf32, #tpu.memory_space<vmem>>
        %parallel_loop3A_608 = tpu.memref_squeeze %parallel_loop3A_607 : memref<1x8x16x129xf32, #tpu.memory_space<vmem>> -> memref<8x16x129xf32, #tpu.memory_space<vmem>>
        tpu.vector_store_idx %parallel_loop3A_608[%select_n3A_96, %add3A_324, %parallel_loop3A_566], %parallel_loop3A_603 : memref<8x16x129xf32, #tpu.memory_space<vmem>>[vector<16xi32>, vector<16xi32>, vector<16xi32>], vector<16xf32>,
        %parallel_loop3A_609 = arith.constant 128 : i32
        %parallel_loop3A_610 = arith.addi %parallel_loop3A_609, %parallel_loop3A_562 : i32
        %parallel_loop3A_611 = arith.constant 0 : i32
        %parallel_loop3A_612 = arith.constant 0 : i32
        %parallel_loop3A_613 = tpu.memref_slice %arg6[%parallel_loop3A_531, %parallel_loop3A_611, %parallel_loop3A_612] : memref<2x256x64xf32, #tpu.memory_space<vmem>> -> memref<1x256x64xf32, #tpu.memory_space<vmem>>
        %parallel_loop3A_614 = tpu.memref_squeeze %parallel_loop3A_613 : memref<1x256x64xf32, #tpu.memory_space<vmem>> -> memref<256x64xf32, #tpu.memory_space<vmem>>
        %parallel_loop3A_615 = arith.index_cast %parallel_loop3A_610 : i32 to index
        %parallel_loop3A_616 = arith.constant 48 : index
        %parallel_loop3A_617 = tpu.vector_load %parallel_loop3A_614[%parallel_loop3A_615, %parallel_loop3A_616] {strides = array<i32>} : memref<256x64xf32, #tpu.memory_space<vmem>>, vector<16xf32>,
        %parallel_loop3A_618 = arith.constant 0 : i32
        %parallel_loop3A_619 = arith.constant 0 : i32
        %parallel_loop3A_620 = arith.constant 0 : i32
        %parallel_loop3A_621 = tpu.memref_slice %arg7[%parallel_loop3A_532, %parallel_loop3A_618, %parallel_loop3A_619, %parallel_loop3A_620] : memref<2x8x16x129xf32, #tpu.memory_space<vmem>> -> memref<1x8x16x129xf32, #tpu.memory_space<vmem>>
        %parallel_loop3A_622 = tpu.memref_squeeze %parallel_loop3A_621 : memref<1x8x16x129xf32, #tpu.memory_space<vmem>> -> memref<8x16x129xf32, #tpu.memory_space<vmem>>
        tpu.vector_store_idx %parallel_loop3A_622[%select_n3A_130, %add3A_352, %parallel_loop3A_566], %parallel_loop3A_617 : memref<8x16x129xf32, #tpu.memory_space<vmem>>[vector<16xi32>, vector<16xi32>, vector<16xi32>], vector<16xf32>,
      } {sc.loop_unroll_factor = 4 : i64, sc.parallel_access}
      %mul3A_533 = arith.constant 8 : i32
      %mul3A_534 = arith.muli %add3A_510, %mul3A_533 : i32
      %dma_start3A_535 = arith.constant 1 : i32
      %dma_start3A_536 = arith.constant 0 : i32
      %dma_start3A_537 = arith.constant 0 : i32
      %dma_start3A_538 = arith.constant 0 : i32
      %dma_start3A_539 = tpu.memref_slice %arg7[%dma_start3A_535, %dma_start3A_536, %dma_start3A_537, %dma_start3A_538] : memref<2x8x16x129xf32, #tpu.memory_space<vmem>> -> memref<1x8x16x129xf32, #tpu.memory_space<vmem>>
      %dma_start3A_540 = tpu.memref_squeeze %dma_start3A_539 : memref<1x8x16x129xf32, #tpu.memory_space<vmem>> -> memref<8x16x129xf32, #tpu.memory_space<vmem>>
      %dma_start3A_541 = arith.constant 0 : i32
      %dma_start3A_542 = arith.constant 0 : i32
      %dma_start3A_543 = arith.constant 0 : i32
      %dma_start3A_544 = tpu.memref_slice %dma_start3A_540[%dma_start3A_541, %dma_start3A_542, %dma_start3A_543] : memref<8x16x129xf32, #tpu.memory_space<vmem>> -> memref<8x16x128xf32, #tpu.memory_space<vmem>>
      %dma_start3A_545 = arith.constant 0 : i32
      %dma_start3A_546 = arith.constant 0 : i32
      %dma_start3A_547 = tpu.memref_slice %arg4[%scan3A_409, %dma_start3A_545, %mul3A_534, %dma_start3A_546] : memref<50x8x1024x128xf32, #tpu.memory_space<hbm>> -> memref<1x8x16x128xf32, #tpu.memory_space<hbm>>
      %dma_start3A_548 = tpu.memref_squeeze %dma_start3A_547 : memref<1x8x16x128xf32, #tpu.memory_space<hbm>> -> memref<8x16x128xf32, #tpu.memory_space<hbm>>
      %dma_start3A_549 = arith.constant 0 : i32
      %dma_start3A_550 = arith.constant 0 : i32
      %dma_start3A_551 = tpu.memref_slice %arg4[%scan3A_409, %dma_start3A_549, %mul3A_534, %dma_start3A_550] : memref<50x8x1024x128xf32, #tpu.memory_space<hbm>> -> memref<1x8x16x128xf32, #tpu.memory_space<hbm>>
      %dma_start3A_552 = tpu.memref_squeeze %dma_start3A_551 : memref<1x8x16x128xf32, #tpu.memory_space<hbm>> -> memref<8x16x128xf32, #tpu.memory_space<hbm>>
      %dma_start3A_553 = arith.constant 0 : i32
      %dma_start3A_554 = arith.constant 0 : i32
      %dma_start3A_555 = arith.constant 0 : i32
      %dma_start3A_556 = tpu.memref_slice %arg7[%dma_start3A_535, %dma_start3A_553, %dma_start3A_554, %dma_start3A_555] : memref<2x8x16x129xf32, #tpu.memory_space<vmem>> -> memref<1x8x16x129xf32, #tpu.memory_space<vmem>>
      %dma_start3A_557 = tpu.memref_squeeze %dma_start3A_556 : memref<1x8x16x129xf32, #tpu.memory_space<vmem>> -> memref<8x16x129xf32, #tpu.memory_space<vmem>>
      %dma_start3A_558 = arith.constant 0 : i32
      %dma_start3A_559 = arith.constant 0 : i32
      %dma_start3A_560 = arith.constant 0 : i32
      %dma_start3A_561 = tpu.memref_slice %dma_start3A_557[%dma_start3A_558, %dma_start3A_559, %dma_start3A_560] : memref<8x16x129xf32, #tpu.memory_space<vmem>> -> memref<8x16x128xf32, #tpu.memory_space<vmem>>
      tpu.enqueue_dma source(%dma_start3A_561 : memref<8x16x128xf32, #tpu.memory_space<vmem>>) target(%dma_start3A_552 : memref<8x16x128xf32, #tpu.memory_space<hbm>>) target_semaphore(%arg11 : memref<!tpu.dma_semaphore, #tpu.memory_space<semaphore_mem>>)
    }
    %scan3A_357 = arith.constant 50 : i32
    %mul3A_358 = arith.constant 4 : i32
    %mul3A_359 = arith.muli %add3A, %mul3A_358 : i32
    %add3A_360 = arith.constant 0 : i32
    %add3A_361 = arith.addi %mul3A_359, %add3A_360 : i32
    %mul3A_362 = arith.constant 8 : i32
    %mul3A_363 = arith.muli %add3A_361, %mul3A_362 : i32
    %dma_wait3A = arith.constant 0 : i32
    %dma_wait3A_364 = arith.constant 49 : i32
    %dma_wait3A_365 = arith.constant 0 : i32
    %dma_wait3A_366 = arith.constant 0 : i32
    %dma_wait3A_367 = arith.constant 0 : i32
    %dma_wait3A_368 = tpu.memref_slice %arg7[%dma_wait3A, %dma_wait3A_365, %dma_wait3A_366, %dma_wait3A_367] : memref<2x8x16x129xf32, #tpu.memory_space<vmem>> -> memref<1x8x16x128xf32, #tpu.memory_space<vmem>>
    %dma_wait3A_369 = tpu.memref_squeeze %dma_wait3A_368 : memref<1x8x16x128xf32, #tpu.memory_space<vmem>> -> memref<8x16x128xf32, #tpu.memory_space<vmem>>
    %dma_wait3A_370 = arith.constant 0 : i32
    %dma_wait3A_371 = arith.constant 0 : i32
    %dma_wait3A_372 = tpu.memref_slice %arg4[%dma_wait3A_364, %dma_wait3A_370, %mul3A_363, %dma_wait3A_371] : memref<50x8x1024x128xf32, #tpu.memory_space<hbm>> -> memref<1x8x16x128xf32, #tpu.memory_space<hbm>>
    %dma_wait3A_373 = tpu.memref_squeeze %dma_wait3A_372 : memref<1x8x16x128xf32, #tpu.memory_space<hbm>> -> memref<8x16x128xf32, #tpu.memory_space<hbm>>
    %dma_wait3A_374 = arith.constant 0 : i32
    %dma_wait3A_375 = arith.constant 0 : i32
    %dma_wait3A_376 = tpu.memref_slice %arg4[%dma_wait3A_364, %dma_wait3A_374, %mul3A_363, %dma_wait3A_375] : memref<50x8x1024x128xf32, #tpu.memory_space<hbm>> -> memref<1x8x16x128xf32, #tpu.memory_space<hbm>>
    %dma_wait3A_377 = tpu.memref_squeeze %dma_wait3A_376 : memref<1x8x16x128xf32, #tpu.memory_space<hbm>> -> memref<8x16x128xf32, #tpu.memory_space<hbm>>
    %dma_wait3A_378 = arith.constant 0 : i32
    %dma_wait3A_379 = arith.constant 0 : i32
    %dma_wait3A_380 = arith.constant 0 : i32
    %dma_wait3A_381 = tpu.memref_slice %arg7[%dma_wait3A, %dma_wait3A_378, %dma_wait3A_379, %dma_wait3A_380] : memref<2x8x16x129xf32, #tpu.memory_space<vmem>> -> memref<1x8x16x128xf32, #tpu.memory_space<vmem>>
    %dma_wait3A_382 = tpu.memref_squeeze %dma_wait3A_381 : memref<1x8x16x128xf32, #tpu.memory_space<vmem>> -> memref<8x16x128xf32, #tpu.memory_space<vmem>>
    tpu.wait_dma2 semaphore(%arg10 : memref<!tpu.dma_semaphore, #tpu.memory_space<semaphore_mem>>) src(%dma_wait3A_382 : memref<8x16x128xf32, #tpu.memory_space<vmem>>) dst(%dma_wait3A_377 : memref<8x16x128xf32, #tpu.memory_space<hbm>>)
    %mul3A_383 = arith.constant 4 : i32
    %mul3A_384 = arith.muli %add3A, %mul3A_383 : i32
    %add3A_385 = arith.constant 2 : i32
    %add3A_386 = arith.addi %mul3A_384, %add3A_385 : i32
    %mul3A_387 = arith.constant 8 : i32
    %mul3A_388 = arith.muli %add3A_386, %mul3A_387 : i32
    %dma_wait3A_389 = arith.constant 1 : i32
    %dma_wait3A_390 = arith.constant 49 : i32
    %dma_wait3A_391 = arith.constant 0 : i32
    %dma_wait3A_392 = arith.constant 0 : i32
    %dma_wait3A_393 = arith.constant 0 : i32
    %dma_wait3A_394 = tpu.memref_slice %arg7[%dma_wait3A_389, %dma_wait3A_391, %dma_wait3A_392, %dma_wait3A_393] : memref<2x8x16x129xf32, #tpu.memory_space<vmem>> -> memref<1x8x16x128xf32, #tpu.memory_space<vmem>>
    %dma_wait3A_395 = tpu.memref_squeeze %dma_wait3A_394 : memref<1x8x16x128xf32, #tpu.memory_space<vmem>> -> memref<8x16x128xf32, #tpu.memory_space<vmem>>
    %dma_wait3A_396 = arith.constant 0 : i32
    %dma_wait3A_397 = arith.constant 0 : i32
    %dma_wait3A_398 = tpu.memref_slice %arg4[%dma_wait3A_390, %dma_wait3A_396, %mul3A_388, %dma_wait3A_397] : memref<50x8x1024x128xf32, #tpu.memory_space<hbm>> -> memref<1x8x16x128xf32, #tpu.memory_space<hbm>>
    %dma_wait3A_399 = tpu.memref_squeeze %dma_wait3A_398 : memref<1x8x16x128xf32, #tpu.memory_space<hbm>> -> memref<8x16x128xf32, #tpu.memory_space<hbm>>
    %dma_wait3A_400 = arith.constant 0 : i32
    %dma_wait3A_401 = arith.constant 0 : i32
    %dma_wait3A_402 = tpu.memref_slice %arg4[%dma_wait3A_390, %dma_wait3A_400, %mul3A_388, %dma_wait3A_401] : memref<50x8x1024x128xf32, #tpu.memory_space<hbm>> -> memref<1x8x16x128xf32, #tpu.memory_space<hbm>>
    %dma_wait3A_403 = tpu.memref_squeeze %dma_wait3A_402 : memref<1x8x16x128xf32, #tpu.memory_space<hbm>> -> memref<8x16x128xf32, #tpu.memory_space<hbm>>
    %dma_wait3A_404 = arith.constant 0 : i32
    %dma_wait3A_405 = arith.constant 0 : i32
    %dma_wait3A_406 = arith.constant 0 : i32
    %dma_wait3A_407 = tpu.memref_slice %arg7[%dma_wait3A_389, %dma_wait3A_404, %dma_wait3A_405, %dma_wait3A_406] : memref<2x8x16x129xf32, #tpu.memory_space<vmem>> -> memref<1x8x16x128xf32, #tpu.memory_space<vmem>>
    %dma_wait3A_408 = tpu.memref_squeeze %dma_wait3A_407 : memref<1x8x16x128xf32, #tpu.memory_space<vmem>> -> memref<8x16x128xf32, #tpu.memory_space<vmem>>
    tpu.wait_dma2 semaphore(%arg11 : memref<!tpu.dma_semaphore, #tpu.memory_space<semaphore_mem>>) src(%dma_wait3A_408 : memref<8x16x128xf32, #tpu.memory_space<vmem>>) dst(%dma_wait3A_403 : memref<8x16x128xf32, #tpu.memory_space<hbm>>)
    return
  }
}

</mosaic_0001>

<sc_bundles>
// kernel: _gather_t.3.cloned.1.call-start
scs
__scs_entry_jumppad:
0x0: {  	(pc) =	sbr.rel $0x88, $3  }
0x1: {  	(tag) =	ssettag $0x0;
	lr =	simm.s32 $0x1  }
0x2: {  	[smem:$0x3F9F] =	sst lr;
	_ =	strace $0xD0000000  }
0x3: {  	_ = 	snop  }
0x4: {  	_ = 	snop  }
0x5: {  	_ = 	snop  }
0x6: {  	_ = 	snop  }
0x7: {  	_ = 	snop  }
__scs_overlays_trampoline_lowered:
0x8: {  	[smem:$0x3FAE] =	sst s0  }
0x9: {  	[smem:$0x3FAF] =	sst s1  }
0xa: {  	[smem:$0x3FB0] =	sst s2  }
0xb: {  	[smem:$0x3FB1] =	sst s3  }
0xc: {  	[smem:$0x3FB2] =	sst s4  }
0xd: {  	[smem:$0x3FB3] =	sst s5  }
0xe: {  	[smem:$0x3FB4] =	sst s6  }
0xf: {  	[smem:$0x3FB5] =	sst s7  }
0x10: {  	[smem:$0x3FB6] =	sst s8  }
0x11: {  	[smem:$0x3FB7] =	sst s9;
	s0 =	simm.s32 @!p0 $0x0  }
0x12: {  	s1 =	sld [smem:$0x3F9D];
	s0 =	simm.s32 @p0 $0x1  }
0x13: {  	[smem:$0x3FB8] =	sst s0;
	s0 =	simm.s32 @!p1 $0x0  }
0x14: {  	s2 =	sld [smem:$0x3F9C];
	s0 =	simm.s32 @p1 $0x1  }
0x15: {  	[smem:$0x3FB9] =	sst s0;
	s0 =	simm.s32 @!p2 $0x0  }
0x16: {  	s3 =	sld [smem:$0x3FDB];
	s0 =	simm.s32 @p2 $0x1  }
0x17: {  	s4 =	simm.s32 $0x1BF5;
	[smem:$0x3FBB] =	sst s0  }
0x18: {  	s0 =	sld [smem:$0x3F9E];
	_ =	swait.ge [sflag:s4], $0x0  }
0x19: {  	s7 =	sld [smem:$0x3F9F]  }
0x1a: {  	s8 =	sadd.s32 $0xFFFFE003, lr  }
0x1b: {  	s9 =	sadd.s32 $0xFFFFFEF7, lr;
	s5 =	simm.s32 $0xFFFFFFFF;
	p2 =	slt.u32 s8, $0xFFFFF086  }
0x1c: {  	p1 =	slt.u32 s9, $0xF7A;
	s5 =	simm.s32 @!p2 $0x0  }
0x1d: {  	s5 =	simm.s32 @p1 $0x1;
	p0 =	seq.s32 s7, s2  }
0x1e: {  	s7 =	smul.u32 @!p0 $0xF7A, s2;
	p2 =	seq.s32 @!p0 s5, $0x0  }
0x1f: {  	s9 =	smul.u32 $0xF7A, s1;
	s8 =	simm.s32 @!p0 $0x1BF5;
	p2 =	por !p2, p0  }
0x20: {  	[sflag:s8] =	ssyncset.s32 @!p0 $0xFFFFF086;
	s6 =	sadd.s32 @!p0 s3, s7;
	s7 =	simm.s32 @!p0 $0x108  }
0x21: {  	s3 =	sadd.s32 s3, s9;
	s6 =	sadd.s32 @!p0 $0x88, s6;
	s7 =	simm.s32 @p2 $0x1082  }
0x22: {  	[simem:s7], [sflag:s8] =	dma.local @!p0 [hbm:s6], $0xF7A  }
0x23: {  	s9 =	sor.u32 $0xD0000000, s2;
	s6 =	simm.s32 $0x108;
	_ =	swait.ge @!p0 [sflag:s8], $0x0  }
0x24: {  	s3 =	sadd.s32 $0x88, s3;
	s6 =	simm.s32 @!p1 $0x1082;
	[sflag:s4] =	ssyncset.s32 $0xFFFFF086  }
0x25: {  	[simem:s6], [sflag:s4] =	dma.local [hbm:s3], $0xF7A  }
0x26: {  	[smem:$0x3F9F] =	sst s1;
	(tag) =	ssettag s2;
	_ =	strace s9  }
0x27: {  	s1 =	sld [smem:$0x3FAF]  }
0x28: {  	s2 =	sld [smem:$0x3FB0]  }
0x29: {  	s4 =	sld [smem:$0x3FB2]  }
0x2a: {  	p0 =	seq.s32 s5, $0x0;
	s5 =	sld [smem:$0x3FB3]  }
0x2b: {  	s6 =	sld [smem:$0x3FB4]  }
0x2c: {  	s7 =	sld [smem:$0x3FB5]  }
0x2d: {  	s3 =	simm.s32 $0x108;
	s8 =	sld [smem:$0x3FB6]  }
0x2e: {  	s3 =	simm.s32 @!p0 $0x1082;
	s9 =	sld [smem:$0x3FB7]  }
0x2f: {  	lr =	sadd.s32 s0, s3;
	s0 =	sld [smem:$0x3FAE]  }
0x30: {  	s3 =	sld [smem:$0x3FB1]  }
0x31: {  	[smem:$0x3FBA] =	sst s10  }
0x32: {  	s10 =	sld [smem:$0x3FB8];
	_ =	sdelay $0x3  }
0x33: {  	p0 =	seq.s32 s10, $0x1;
	s10 =	sld [smem:$0x3FBA];
	_ =	sdelay $0x3  }
0x34: {  	[smem:$0x3FBA] =	sst s10  }
0x35: {  	s10 =	sld [smem:$0x3FB9];
	_ =	sdelay $0x3  }
0x36: {  	p1 =	seq.s32 s10, $0x1;
	s10 =	sld [smem:$0x3FBA];
	_ =	sdelay $0x3  }
0x37: {  	[smem:$0x3FBA] =	sst s10  }
0x38: {  	s10 =	sld [smem:$0x3FBB]  }
0x39: {  	_ = 	snop;
	(pc) =	sbr.ind lr, $3  }
0x3a: {  	_ = 	snop  }
0x3b: {  	_ = 	snop  }
0x3c: {  	p2 =	seq.s32 s10, $0x1;
	s10 =	sld [smem:$0x3FBA]  }
0x3d: {  	_ =	shalt  }
0x3e: {  	_ =	shalt  }
0x3f: {  	_ =	shalt  }
0x40: {  	_ =	shalt  }
0x41: {  	_ =	shalt  }
0x42: {  	_ =	shalt  }
0x43: {  	_ =	shalt  }
0x44: {  	_ =	shalt  }
0x45: {  	_ =	shalt  }
0x46: {  	_ =	shalt  }
0x47: {  	_ =	shalt  }
0x48: {  	_ =	shalt  }
0x49: {  	_ =	shalt  }
0x4a: {  	_ =	shalt  }
0x4b: {  	_ =	shalt  }
0x4c: {  	_ =	shalt  }
0x4d: {  	_ =	shalt  }
0x4e: {  	_ =	shalt  }
0x4f: {  	_ =	shalt  }
0x50: {  	_ =	shalt  }
0x51: {  	_ =	shalt  }
0x52: {  	_ =	shalt  }
0x53: {  	_ =	shalt  }
0x54: {  	_ =	shalt  }
0x55: {  	_ =	shalt  }
0x56: {  	_ =	shalt  }
0x57: {  	_ =	shalt  }
0x58: {  	_ =	shalt  }
0x59: {  	_ =	shalt  }
0x5a: {  	_ =	shalt  }
0x5b: {  	_ =	shalt  }
0x5c: {  	_ =	shalt  }
0x5d: {  	_ =	shalt  }
0x5e: {  	_ =	shalt  }
0x5f: {  	_ =	shalt  }
0x60: {  	_ =	shalt  }
0x61: {  	_ =	shalt  }
0x62: {  	_ =	shalt  }
0x63: {  	_ =	shalt  }
0x64: {  	_ =	shalt  }
0x65: {  	_ =	shalt  }
0x66: {  	_ =	shalt  }
0x67: {  	_ =	shalt  }
0x68: {  	_ =	shalt  }
0x69: {  	_ =	shalt  }
0x6a: {  	_ =	shalt  }
0x6b: {  	_ =	shalt  }
0x6c: {  	_ =	shalt  }
0x6d: {  	_ =	shalt  }
0x6e: {  	_ =	shalt  }
0x6f: {  	_ =	shalt  }
0x70: {  	_ =	shalt  }
0x71: {  	_ =	shalt  }
0x72: {  	_ =	shalt  }
0x73: {  	_ =	shalt  }
0x74: {  	_ =	shalt  }
0x75: {  	_ =	shalt  }
0x76: {  	_ =	shalt  }
0x77: {  	_ =	shalt  }
0x78: {  	_ =	shalt  }
0x79: {  	_ =	shalt  }
0x7a: {  	_ =	shalt  }
0x7b: {  	_ =	shalt  }
0x7c: {  	_ =	shalt  }
0x7d: {  	_ =	shalt  }
0x7e: {  	_ =	shalt  }
0x7f: {  	_ =	shalt  }
0x80: {  	_ =	shalt  }
0x81: {  	_ =	shalt  }
0x82: {  	_ =	shalt  }
0x83: {  	_ =	shalt  }
0x84: {  	_ =	shalt  }
0x85: {  	_ =	shalt  }
0x86: {  	_ =	shalt  }
0x87: {  	_ =	shalt  }
.Lfunc_end0:
.L_simem_size_0:
called_computation_lowered:
.L_overlay_start_0:
0x88: {  	s2 =	sld [smem:$0x3FD9]  }
0x89: {  	s3 =	sld [smem:$0x3FFE];
	_ =	sdelay $0x1  }
0x8a: {  	s1 =	srdreg.scid  }
0x8b: {  	s0 =	sand.u32 $0x1, s1  }
0x8c: {  	s17 =	sshll.u32 s0, $0xA;
	s2 =	sadd.s32 s3, s2  }
0x8d: {  	s2 =	sadd.s32 s2, s17  }
0x8e: {  	[smem:$0x3FC6] =	sst s2  }
0x8f: {  	_ = 	snop  }
0x90: {  	s2 =	sld [smem:$0x3FD0];
	(tm) =	ssettm $0x1  }
0x91: {  	s18 =	sld [smem:$0x3FFB];
	_ =	sdelay $0x3  }
0x92: {  	_ =	strace s18  }
0x93: {  	s3 =	sld [smem:$0x3FFC];
	_ =	sdelay $0x3  }
0x94: {  	_ =	strace s3  }
0x95: {  	s3 =	sld [smem:$0x3FFD];
	_ =	sdelay $0x3  }
0x96: {  	_ =	strace s3  }
0x97: {  	_ =	strace $0x8FFFFFFF  }
0x98: {  	s19 =	sld [smem:$0x3FDB];
	_ =	sdelay $0x1  }
0x99: {  	s4 =	simm.s32 $_scs_section_size  }
0x9a: {  	s5 =	simm.s32 $_size__tile_overlayer_lowered;
	s6 =	simm.s32 $_tile_overlayer_lowered  }
0x9b: {  	s22 =	simm.s32 $0x1BFF;
	s21 =	sshll.u32 s6, $0x1;
	s3 =	sadd.s32 s4, s19  }
0x9c: {  	s7 =	simm.s32 $0x0;
	s20 =	sshll.u32 s5, $0x1;
	s5 =	sadd.s32 s21, s3  }
0x9d: {  	[timem:s7], [sflag:s22] =	dma.local [hbm:s5], s20  }
0x9e: {  	_ =	swait.ge [sflag:s22], s20  }
0x9f: {  	s4 =	ssub.s32 $0x0, s20;
	[sflag:s22] =	ssyncset.done $0x0  }
0xa0: {  	[sflag:s22] =	ssyncadd.s32 s4;
	_ =	sdelay $0x1  }
0xa1: {  	s23 =	simm.s32 $0x1B8B  }
0xa2: {  	_ =	swait.ge [sflag:s23], $0x1  }
0xa3: {  	[sflag:s23] =	ssyncset.done $0x0  }
0xa4: {  	s25 =	simm.s32 $0x1B8E;
	s24 =	sld [smem:$0x3FFE];
	[sflag:s23] =	ssyncadd.s32 $0xFFFFFFFF  }
0xa5: {  	s26 =	simm.s32 $execute0_lowered;
	[smem:$0x3FD2] =	sst s25  }
0xa6: {  	s5 =	sshll.u32 s26, $0x1;
	_ =	strace $0x80000046;
	[dreg:$0x1] =	wrdreg $0xFFFFFFFF  }
0xa7: {  	s28 =	simm.s32 $_size_execute0_lowered;
	s3 =	sadd.s32 s3, s5;
	[dreg:$0x0] =	wrdreg $0x0  }
0xa8: {  	s5 =	sshll.u32 s28, $0x1;
	[dreg:$0x2] =	wrdreg s3  }
0xa9: {  	[dreg:$0x3] =	wrdreg s5  }
0xaa: {  	[dreg:$0x4] =	wrdreg $0xC0  }
0xab: {  	_ =	task [dreg:s7], $0x5FFFF  }
0xac: {  	[dreg:$0x1] =	wrdreg $0xFFFFFFFF  }
0xad: {  	[dreg:$0x0] =	wrdreg $0x60  }
0xae: {  	[dreg:$0x2] =	wrdreg s24  }
0xaf: {  	[dreg:$0x3] =	wrdreg s2  }
0xb0: {  	[dreg:$0x4] =	wrdreg $0x9  }
0xb1: {  	_ =	task.clear_ibuf [dreg:s7], $0x5FFFF;
	_ =	strace $0x90000046  }
0xb2: {  	s29 =	simm.s32 $0x9;
	_ =	strace $0x80000048  }
0xb3: {  	_ =	swait.ge [sflag:s29], $0x1  }
0xb4: {  	[sflag:s29] =	ssyncadd.s32 $0xFFFFFFFF  }
0xb5: {  	_ =	strace $0x90000048  }
0xb6: {  	_ =	sfence  }
0xb7: {  	s30 =	sld [smem:$0x0];
	_ =	sdelay $0x2  }
0xb8: {  	s31 =	sshll.u32 s1, $0xD;
	s1 =	sshrl.u32 s1, $0x2  }
0xb9: {  	s3 =	sand.u32 $0x4000, s31;
	s1 =	sadd.s32 s1, s30  }
0xba: {  	s0 =	sor.u32 s3, s0;
	s1 =	sshll.u32 s1, $0x11  }
0xbb: {  	s0 =	sor.u32 s1, s0  }
0xbc: {  	s0 =	sadd.s32 $0x8F2B, s0  }
0xbd: {  	[sflag:s0] =	ssyncadd.remote.s32 $0x1  }
0xbe: {  	_ =	sfence.sel $0xFFFF  }
0xbf: {  	[dreg:$0x0] =	wrdreg $0xFFFFFFFF;
	(pc) =	sbr.abs _section_cstart, $3  }
0xc0: {  	[dreg:$0x1] =	wrdreg $0xFFFFFFFF  }
0xc1: {  	_ =	task.clear_ibuf [dreg:s7], $0x2FFFF;
	_ =	strace $0x9FFFFFFF  }
0xc2: {  	(tm) =	ssettm $0x7FFFFFFF  }
0xc3: {  	_ =	shalt  }
tec
execute0_lowered:
.L_overlay_start_1:
0x0: {  	(tag) =	ssettag $0x1  }
0x1: {  	v0 =	vimm.s32 $0xC38;
	vm12 =	vcmask $0x300  }
0x2: {  	v1 =	vimm.s32 $0x1D38;
	vm13 =	vcmask $0x704;
	vm14 =	vcmask $0xB08  }
0x3: {  	vm11 =	vcmask $0xF0C;
	vm10 =	vcmask $0x1310;
	vm9 =	vcmask $0x1714  }
0x4: {  	vm8 =	vcmask $0x1B18;
	vm7 =	vcmask $0x1F1C;
	vm6 =	vcmask $0x2320  }
0x5: {  	vm5 =	vcmask $0x2724;
	vm4 =	vcmask $0x2B28;
	vm3 =	vcmask $0x2F2C  }
0x6: {  	vm2 =	vcmask $0x3330;
	vm1 =	vcmask $0x3734;
	vm0 =	vcmask $0x3B38  }
0x7: {  	v2 =	vimm.s32 $0x2E38;
	v3 =	vimm.s32 $0x3F38;
	v4 =	vimm.s32 $0x1078  }
0x8: {  	v5 =	vimm.s32 $0x2178;
	v6 =	vimm.s32 $0x3278;
	v7 =	vimm.s32 $0x4378  }
0x9: {  	v0 =	vsel vm12, $0x0, v0;
	v1 =	vsel vm12, $0x1100, v1;
	v2 =	vsel vm12, $0x2200, v2  }
0xa: {  	v3 =	vsel vm12, $0x3300, v3;
	v4 =	vsel vm12, $0x440, v4;
	v5 =	vsel vm12, $0x1540, v5  }
0xb: {  	v6 =	vsel vm12, $0x2640, v6;
	v7 =	vsel vm12, $0x3740, v7;
	v0 =	vsel vm13, $0x88, v0  }
0xc: {  	v1 =	vsel vm13, $0x1188, v1;
	v2 =	vsel vm13, $0x2288, v2;
	v3 =	vsel vm13, $0x3388, v3  }
0xd: {  	v4 =	vsel vm13, $0x4C8, v4;
	v5 =	vsel vm13, $0x15C8, v5;
	v6 =	vsel vm13, $0x26C8, v6  }
0xe: {  	v7 =	vsel vm13, $0x37C8, v7;
	v0 =	vsel vm14, $0x110, v0;
	v1 =	vsel vm14, $0x1210, v1  }
0xf: {  	v2 =	vsel vm14, $0x2310, v2;
	v3 =	vsel vm14, $0x3410, v3;
	v4 =	vsel vm14, $0x550, v4  }
0x10: {  	v5 =	vsel vm14, $0x1650, v5;
	v6 =	vsel vm14, $0x2750, v6;
	v7 =	vsel vm14, $0x3850, v7  }
0x11: {  	v0 =	vsel vm11, $0x198, v0;
	v1 =	vsel vm11, $0x1298, v1;
	v2 =	vsel vm11, $0x2398, v2  }
0x12: {  	v3 =	vsel vm11, $0x3498, v3;
	v4 =	vsel vm11, $0x5D8, v4;
	v5 =	vsel vm11, $0x16D8, v5  }
0x13: {  	v6 =	vsel vm11, $0x27D8, v6;
	v7 =	vsel vm11, $0x38D8, v7;
	v0 =	vsel vm10, $0x220, v0  }
0x14: {  	v1 =	vsel vm10, $0x1320, v1;
	v2 =	vsel vm10, $0x2420, v2;
	v3 =	vsel vm10, $0x3520, v3  }
0x15: {  	v4 =	vsel vm10, $0x660, v4;
	v5 =	vsel vm10, $0x1760, v5;
	v6 =	vsel vm10, $0x2860, v6  }
0x16: {  	v7 =	vsel vm10, $0x3960, v7;
	v0 =	vsel vm9, $0x2A8, v0;
	v1 =	vsel vm9, $0x13A8, v1  }
0x17: {  	v2 =	vsel vm9, $0x24A8, v2;
	v3 =	vsel vm9, $0x35A8, v3;
	v4 =	vsel vm9, $0x6E8, v4  }
0x18: {  	v5 =	vsel vm9, $0x17E8, v5;
	v6 =	vsel vm9, $0x28E8, v6;
	v7 =	vsel vm9, $0x39E8, v7  }
0x19: {  	v0 =	vsel vm8, $0x330, v0;
	v1 =	vsel vm8, $0x1430, v1;
	v2 =	vsel vm8, $0x2530, v2  }
0x1a: {  	v3 =	vsel vm8, $0x3630, v3;
	v4 =	vsel vm8, $0x770, v4;
	v5 =	vsel vm8, $0x1870, v5  }
0x1b: {  	v6 =	vsel vm8, $0x2970, v6;
	v7 =	vsel vm8, $0x3A70, v7;
	v0 =	vsel vm7, $0x3B8, v0  }
0x1c: {  	v1 =	vsel vm7, $0x14B8, v1;
	v2 =	vsel vm7, $0x25B8, v2;
	v3 =	vsel vm7, $0x36B8, v3  }
0x1d: {  	v4 =	vsel vm7, $0x7F8, v4;
	v5 =	vsel vm7, $0x18F8, v5;
	v6 =	vsel vm7, $0x29F8, v6  }
0x1e: {  	v7 =	vsel vm7, $0x3AF8, v7;
	v0 =	vsel vm6, $0x880, v0;
	v1 =	vsel vm6, $0x1980, v1  }
0x1f: {  	v2 =	vsel vm6, $0x2A80, v2;
	v3 =	vsel vm6, $0x3B80, v3;
	v4 =	vsel vm6, $0xCC0, v4  }
0x20: {  	v5 =	vsel vm6, $0x1DC0, v5;
	v6 =	vsel vm6, $0x2EC0, v6;
	v7 =	vsel vm6, $0x3FC0, v7  }
0x21: {  	v0 =	vsel vm5, $0x908, v0;
	v1 =	vsel vm5, $0x1A08, v1;
	v2 =	vsel vm5, $0x2B08, v2  }
0x22: {  	v3 =	vsel vm5, $0x3C08, v3;
	v4 =	vsel vm5, $0xD48, v4;
	v5 =	vsel vm5, $0x1E48, v5  }
0x23: {  	v6 =	vsel vm5, $0x2F48, v6;
	v7 =	vsel vm5, $0x4048, v7;
	v0 =	vsel vm4, $0x990, v0  }
0x24: {  	v1 =	vsel vm4, $0x1A90, v1;
	v2 =	vsel vm4, $0x2B90, v2;
	v3 =	vsel vm4, $0x3C90, v3  }
0x25: {  	s5 =	rddreg [dreg:$0x0];
	v4 =	vsel vm4, $0xDD0, v4;
	v5 =	vsel vm4, $0x1ED0, v5;
	v6 =	vsel vm4, $0x2FD0, v6  }
0x26: {  	s1 =	rddreg [dreg:$0x1];
	v7 =	vsel vm4, $0x40D0, v7;
	v0 =	vsel vm3, $0xA18, v0;
	v1 =	vsel vm3, $0x1B18, v1  }
0x27: {  	s0 =	rddreg [dreg:$0x2];
	v2 =	vsel vm3, $0x2C18, v2;
	v3 =	vsel vm3, $0x3D18, v3;
	v4 =	vsel vm3, $0xE58, v4  }
0x28: {  	s2 =	simm.s32 $0x0;
	s4 =	srdreg.scid;
	s3 =	stileid.u32;
	v5 =	vsel vm3, $0x1F58, v5;
	v6 =	vsel vm3, $0x3058, v6;
	v7 =	vsel vm3, $0x4158, v7  }
0x29: {  	s10 =	simm.s32 $0x100;
	s11 =	simm.s32 $0x200;
	s12 =	simm.s32 $0x4200;
	v0 =	vsel vm2, $0xAA0, v0;
	v1 =	vsel vm2, $0x1BA0, v1;
	v2 =	vsel vm2, $0x2CA0, v2  }
0x2a: {  	s13 =	simm.s32 $0x1;
	s14 =	simm.s32 $0x8200;
	s15 =	simm.s32 $0x2;
	v3 =	vsel vm2, $0x3DA0, v3;
	v4 =	vsel vm2, $0xEE0, v4;
	v5 =	vsel vm2, $0x1FE0, v5  }
0x2b: {  	s16 =	simm.s32 $0xC600;
	s17 =	simm.s32 $0x3;
	s18 =	simm.s32 $0x4;
	v6 =	vsel vm2, $0x30E0, v6;
	v7 =	vsel vm2, $0x41E0, v7;
	v0 =	vsel vm1, $0xB28, v0  }
0x2c: {  	s19 =	simm.s32 $0x0;
	[smem:$0x7FF] =	sst s2;
	s6 =	sand.u32 $0x1, s4;
	v1 =	vsel vm1, $0x1C28, v1;
	v2 =	vsel vm1, $0x2D28, v2;
	v3 =	vsel vm1, $0x3E28, v3  }
0x2d: {  	s4 =	sadd.s32 $0x600, s5;
	s8 =	sshll.u32 s3, $0x1;
	s7 =	ssub.s32 $0x2, s6;
	v4 =	vsel vm1, $0xF68, v4;
	v5 =	vsel vm1, $0x2068, v5;
	v6 =	vsel vm1, $0x3168, v6  }
0x2e: {  	s5 =	sadd.s32 $0xF42A00, s5;
	s8 =	sor.u32 s6, s8;
	s9 =	sshrl.u32 s7, $0x1;
	v7 =	vsel vm1, $0x4268, v7;
	v0 =	vsel vm0, $0xBB0, v0;
	v1 =	vsel vm0, $0x1CB0, v1  }
0x2f: {  	_ =	strace $0x80000047;
	s6 =	sshll.u32 s8, $0x9;
	s9 =	ssub.s32 s7, s9;
	v2 =	vsel vm0, $0x2DB0, v2;
	v3 =	vsel vm0, $0x3EB0, v3;
	v4 =	vsel vm0, $0xFF0, v4  }
0x30: {  	s7 =	sshll.u32 s8, $0xC;
	s8 =	smax.u32 s9, $0x1;
	s9 =	simm.s32 $0x5;
	v5 =	vsel vm0, $0x20F0, v5;
	v6 =	vsel vm0, $0x31F0, v6;
	v7 =	vsel vm0, $0x42F0, v7  }
.LBB2_1:
0x31: {  	s20 =	simm.s32 $0x0  }
.LBB2_2:
0x32: {  	p0 =	seq.s32 s20, $0x0  }
0x33: {  	s22 =	sshll.u32 s20, $0xE;
	s21 =	simm.s32 @!p0 $0x3  }
0x34: {  	s22 =	sor.u32 s6, s22;
	_ =	swait.ge @!p0 [sflag:s21], $0x4000  }
0x35: {  	s22 =	sshrl.u32 s22, $0x3;
	[sflag:s21] =	ssyncset.done @!p0 $0x0  }
0x36: {  	s29 =	sadd.s32 s4, s22;
	[sflag:s21] =	ssyncadd.s32 @!p0 $0xFFFFC000  }
0x37: {  	[tilespmem:s2], [sflag:$0x5] =	stream.linear.gather [hbm4b:s29+s2], $0x100, $0x38;
	[tilespmem:$0x10A00] =	vst v63  }
0x38: {  	_ =	swait.ge [sflag:s9], $0x100  }
0x39: {  	[sflag:s9] =	ssyncset.done $0x0  }
0x3a: {  	s21 =	simm.s32 @!p0 $0x4;
	[sflag:s9] =	ssyncadd.s32 $0xFFFFFF00  }
0x3b: {  	[tilespmem:s11], [sflag:$0x1] =	stream.indirect.gather [hbm4b:s5+s10], $0x40, s2, s10, $0xb8;
	[tilespmem:$0x10A00] =	vst v63  }
0x3c: {  	_ =	swait.ge @!p0 [sflag:s21], $0x4000  }
0x3d: {  	s22 =	sadd.s32 s22, s4;
	[sflag:s21] =	ssyncset.done @!p0 $0x0  }
0x3e: {  	s31 =	simm.s32 $0x0;
	s30 =	sadd.s32 $0x20, s22;
	[sflag:s21] =	ssyncadd.s32 @!p0 $0xFFFFC000  }
0x3f: {  	[tilespmem:s10], [sflag:$0x5] =	stream.linear.gather [hbm4b:s30+s31], $0x100, $0x38;
	[tilespmem:$0x10A00] =	vst v63  }
0x40: {  	_ =	swait.ge [sflag:s9], $0x100  }
0x41: {  	[sflag:s9] =	ssyncset.done $0x0  }
0x42: {  	[sflag:s9] =	ssyncadd.s32 $0xFFFFFF00  }
0x43: {  	[tilespmem:s12], [sflag:$0x2] =	stream.indirect.gather [hbm4b:s5+s10], $0x40, s10, s10, $0xb8;
	[tilespmem:$0x10A00] =	vst v63  }
0x44: {  	s24 =	simm.s32 $0x3;
	_ =	swait.ge [sflag:s13], $0x4000  }
0x45: {  	v8 =	vmov s24;
	[sflag:s13] =	ssyncset.done $0x0  }
0x46: {  	s23 =	simm.s32 $0x280;
	v14 =	vand.u32 $0x7F, v8;
	[sflag:s13] =	ssyncadd.s32 $0xFFFFC000  }
0x47: {  	s25 =	simm.s32 $0x1;
	v8 =	vmov s31;
	v11 =	vadd.s32 v0, v14;
	v10 =	vld [tilespmem:s23+$0x40]  }
0x48: {  	v9 =	vand.u32 $0x7C, v8;
	v8 =	vmov s25  }
0x49: {  	v16 =	vadd.s32 v0, v9;
	v13 =	vand.u32 $0x7D, v8;
	v15 =	vld [tilespmem:s23+$0xFFFFFF80]  }
0x4a: {  	v17 =	vadd.s32 v0, v13;
	v8 =	vld [tilespmem:s23+$0xFFFFFFC0]  }
0x4b: {  	s26 =	simm.s32 $0x2  }
0x4c: {  	v12 =	vmov s26;
	[tilespmem:v11+s14+$0x0] =	vst.idx.msk $0xffff, v10  }
0x4d: {  	v12 =	vand.u32 $0x7E, v12;
	v11 =	vadd.s32 v1, v14;
	v10 =	vld [tilespmem:s23+$0x50]  }
0x4e: {  	v19 =	vadd.s32 v0, v12;
	v18 =	vld [tilespmem:s23+$0x0];
	[tilespmem:v16+s14+$0x0] =	vst.idx.msk $0xffff, v15  }
0x4f: {  	v16 =	vadd.s32 v1, v9;
	[tilespmem:v17+s14+$0x0] =	vst.idx.msk $0xffff, v8;
	v15 =	vld [tilespmem:s23+$0xFFFFFF90]  }
0x50: {  	v17 =	vadd.s32 v1, v13;
	v8 =	vld [tilespmem:s23+$0xFFFFFFD0];
	_ =	sdelay $0x1  }
0x51: {  	[tilespmem:v11+s14+$0x0] =	vst.idx.msk $0xffff, v10  }
0x52: {  	[tilespmem:v19+s14+$0x0] =	vst.idx.msk $0xffff, v18;
	v18 =	vadd.s32 v2, v14;
	v10 =	vld [tilespmem:s23+$0x60]  }
0x53: {  	s28 =	simm.s32 $0x7;
	v20 =	vadd.s32 v1, v12;
	v19 =	vld [tilespmem:s23+$0x10];
	[tilespmem:v16+s14+$0x0] =	vst.idx.msk $0xffff, v15  }
0x54: {  	v22 =	vadd.s32 v2, v9;
	s29 =	simm.s32 $0x4;
	v11 =	vmov s28;
	[tilespmem:v17+s14+$0x0] =	vst.idx.msk $0xffff, v8;
	v21 =	vld [tilespmem:s23+$0xFFFFFFA0]  }
0x55: {  	s22 =	simm.s32 $0x380;
	v23 =	vadd.s32 v2, v13;
	v15 =	vmov s29;
	v11 =	vand.u32 $0x7F, v11;
	v17 =	vld [tilespmem:s23+$0xFFFFFFE0]  }
0x56: {  	s30 =	simm.s32 $0x5;
	v24 =	vld [tilespmem:s22+$0x40];
	v16 =	vand.u32 $0x7C, v15;
	v25 =	vadd.s32 v0, v11  }
0x57: {  	s31 =	simm.s32 $0x6;
	v26 =	vld [tilespmem:s22+$0xFFFFFF80];
	v8 =	vmov s30;
	v27 =	vadd.s32 v0, v16;
	[tilespmem:v18+s14+$0x0] =	vst.idx.msk $0xffff, v10  }
0x58: {  	[tilespmem:v20+s14+$0x0] =	vst.idx.msk $0xffff, v19;
	v19 =	vadd.s32 v3, v14;
	v10 =	vand.u32 $0x7D, v8;
	v8 =	vmov s31;
	v18 =	vld [tilespmem:s23+$0x70]  }
0x59: {  	v20 =	vld [tilespmem:s22+$0xFFFFFFC0];
	[tilespmem:v22+s14+$0x0] =	vst.idx.msk $0xffff, v21;
	v21 =	vadd.s32 v0, v10;
	v8 =	vand.u32 $0x7E, v8  }
0x5a: {  	v22 =	vld [tilespmem:s22+$0x0];
	[tilespmem:v23+s14+$0x0] =	vst.idx.msk $0xffff, v17;
	v28 =	vadd.s32 v0, v8  }
0x5b: {  	v17 =	vld [tilespmem:s23+$0x20];
	v23 =	vadd.s32 v2, v12;
	[tilespmem:v25+s14+$0x0] =	vst.idx.msk $0xffff, v24  }
0x5c: {  	[tilespmem:v27+s14+$0x0] =	vst.idx.msk $0xffff, v26;
	v25 =	vadd.s32 v1, v11;
	v24 =	vld [tilespmem:s22+$0x50]  }
0x5d: {  	v32 =	vadd.s32 v1, v16;
	v31 =	vld [tilespmem:s22+$0xFFFFFF90];
	[tilespmem:v19+s14+$0x0] =	vst.idx.msk $0xffff, v18  }
0x5e: {  	[tilespmem:v21+s14+$0x0] =	vst.idx.msk $0xffff, v20;
	v18 =	vld [tilespmem:s23+$0xFFFFFFF0];
	v19 =	vadd.s32 v3, v13  }
0x5f: {  	v30 =	vadd.s32 v1, v10;
	v29 =	vld [tilespmem:s22+$0xFFFFFFD0];
	[tilespmem:v28+s14+$0x0] =	vst.idx.msk $0xffff, v22  }
0x60: {  	[tilespmem:v23+s14+$0x0] =	vst.idx.msk $0xffff, v17;
	v28 =	vadd.s32 v1, v8;
	v26 =	vld [tilespmem:s22+$0x10]  }
0x61: {  	v27 =	vadd.s32 v3, v12;
	v23 =	vld [tilespmem:s23+$0x30];
	[tilespmem:v25+s14+$0x0] =	vst.idx.msk $0xffff, v24  }
0x62: {  	s26 =	simm.s32 $0xB;
	v17 =	vmov v8;
	[tilespmem:v32+s14+$0x0] =	vst.idx.msk $0xffff, v31;
	v24 =	vadd.s32 v2, v11;
	v21 =	vld [tilespmem:s22+$0x60]  }
0x63: {  	s24 =	simm.s32 $0x8;
	s25 =	simm.s32 $0xC;
	s21 =	simm.s32 $0x8;
	v20 =	vmovc v9;
	v25 =	vadd.s32 v2, v16;
	v22 =	vld [tilespmem:s22+$0xFFFFFFA0];
	[tilespmem:v19+s14+$0x0] =	vst.idx.msk $0xffff, v18;
	v18 =	vmov v10;
	v19 =	vmov v11  }
.LBB2_3:
0x64: {  	p0 =	slt.u32 s25, $0x7C;
	v31 =	vmov s26;
	[tilespmem:v30+s14+$0x0] =	vst.idx.msk $0xffff, v29;
	v29 =	vld [tilespmem:s23+$0xFFFFFFB0];
	v30 =	vadd.s32 v3, v20;
	v20 =	vmov v16;
	s23 =	smov.u32 s22  }
0x65: {  	v16 =	vmov s24;
	v33 =	vadd.s32 v2, v18;
	s22 =	sadd.s32 $0x100, s22;
	v31 =	vand.u32 $0x7F, v31;
	v32 =	vld [tilespmem:s23+$0xFFFFFFE0];
	[tilespmem:v28+s14+$0x0] =	vst.idx.msk $0xffff, v26  }
0x66: {  	s26 =	sadd.s32 $0x1, s24;
	v16 =	vand.u32 $0x7C, v16;
	v26 =	vld [tilespmem:s22+$0x40];
	v28 =	vadd.s32 v0, v31;
	[tilespmem:v27+s14+$0x0] =	vst.idx.msk $0xffff, v23  }
0x67: {  	v34 =	vmov s26;
	s26 =	sadd.s32 $0x2, s24;
	s24 =	smov.u32 s25;
	v27 =	vadd.s32 v0, v16;
	v23 =	vld [tilespmem:s22+$0xFFFFFF80];
	[tilespmem:v24+s14+$0x0] =	vst.idx.msk $0xffff, v21  }
0x68: {  	v21 =	vand.u32 $0x7D, v34;
	v24 =	vmov s26;
	[tilespmem:v25+s14+$0x0] =	vst.idx.msk $0xffff, v22;
	v22 =	vld [tilespmem:s23+$0x70];
	v25 =	vadd.s32 v3, v19;
	v19 =	vmovc v31  }
0x69: {  	v34 =	vadd.s32 v0, v21;
	v24 =	vand.u32 $0x7E, v24;
	v31 =	vld [tilespmem:s22+$0xFFFFFFC0];
	[tilespmem:v30+s14+$0x0] =	vst.idx.msk $0xffff, v29  }
0x6a: {  	v36 =	vadd.s32 v0, v24;
	v35 =	vld [tilespmem:s22+$0x0];
	[tilespmem:v33+s14+$0x0] =	vst.idx.msk $0xffff, v32  }
0x6b: {  	v33 =	vadd.s32 v2, v17;
	[tilespmem:v28+s14+$0x0] =	vst.idx.msk $0xffff, v26;
	v32 =	vld [tilespmem:s23+$0x20]  }
0x6c: {  	[tilespmem:v27+s14+$0x0] =	vst.idx.msk $0xffff, v23;
	v23 =	vld [tilespmem:s22+$0x50];
	v27 =	vadd.s32 v1, v19  }
0x6d: {  	v38 =	vadd.s32 v1, v16;
	v37 =	vld [tilespmem:s22+$0xFFFFFF90];
	[tilespmem:v25+s14+$0x0] =	vst.idx.msk $0xffff, v22  }
0x6e: {  	[tilespmem:v34+s14+$0x0] =	vst.idx.msk $0xffff, v31;
	v31 =	vld [tilespmem:s23+$0xFFFFFFF0];
	v34 =	vadd.s32 v3, v18;
	v18 =	vmov v21  }
.Ltmp0:
0x6f: {  	v29 =	vld [tilespmem:s22+$0xFFFFFFD0];
	v30 =	vadd.s32 v1, v18;
	[tilespmem:v36+s14+$0x0] =	vst.idx.msk $0xffff, v35;
	(pc) =	sbr.rel @p0 .LBB2_3-.Ltmp0, $4  }
0x70: {  	v28 =	vadd.s32 v1, v24;
	v26 =	vld [tilespmem:s22+$0x10];
	[tilespmem:v33+s14+$0x0] =	vst.idx.msk $0xffff, v32  }
0x71: {  	[tilespmem:v27+s14+$0x0] =	vst.idx.msk $0xffff, v23;
	v23 =	vld [tilespmem:s23+$0x30];
	v27 =	vadd.s32 v3, v17;
	v17 =	vmov v24  }
0x72: {  	v24 =	vadd.s32 v2, v19;
	[tilespmem:v38+s14+$0x0] =	vst.idx.msk $0xffff, v37;
	v21 =	vld [tilespmem:s22+$0x60]  }
0x73: {  	s25 =	sadd.s32 $0x4, s25;
	s26 =	sadd.s32 $0x3, s24;
	v25 =	vadd.s32 v2, v16;
	v22 =	vld [tilespmem:s22+$0xFFFFFFA0];
	[tilespmem:v34+s14+$0x0] =	vst.idx.msk $0xffff, v31  }
0x74: {  	_ =	sdelay $0x2  }
0x75: {  	v31 =	vmov s26;
	s25 =	sadd.s32 $0x1, s24  }
0x76: {  	[tilespmem:v30+s14+$0x0] =	vst.idx.msk $0xffff, v29;
	v40 =	vld [tilespmem:s23+$0xFFFFFFB0];
	v20 =	vadd.s32 v3, v20;
	s30 =	sadd.s32 $0x100, s22;
	s31 =	sadd.s32 $0x2, s24;
	v41 =	vand.u32 $0x7F, v31;
	v42 =	vmov s25  }
0x77: {  	[tilespmem:v28+s14+$0x0] =	vst.idx.msk $0xffff, v26;
	v43 =	vld [tilespmem:s30+$0x40];
	v32 =	vmov s31;
	v44 =	vadd.s32 v0, v41;
	v31 =	vand.u32 $0x7D, v42  }
0x78: {  	v33 =	vmov s24;
	[tilespmem:v27+s14+$0x0] =	vst.idx.msk $0xffff, v23;
	v23 =	vld [tilespmem:s30+$0xFFFFFFC0];
	v32 =	vand.u32 $0x7E, v32;
	v45 =	vadd.s32 v0, v31  }
0x79: {  	v33 =	vand.u32 $0x7C, v33;
	[tilespmem:v24+s14+$0x0] =	vst.idx.msk $0xffff, v21;
	v21 =	vld [tilespmem:s30+$0x0];
	v46 =	vadd.s32 v0, v32  }
0x7a: {  	v34 =	vld [tilespmem:s30+$0xFFFFFF80];
	[tilespmem:v25+s14+$0x0] =	vst.idx.msk $0xffff, v22;
	v22 =	vadd.s32 v0, v33  }
0x7b: {  	v47 =	vld [tilespmem:s22+$0xFFFFFFE0];
	[tilespmem:v20+s14+$0x0] =	vst.idx.msk $0xffff, v40;
	v20 =	vadd.s32 v2, v18  }
0x7c: {  	v19 =	vadd.s32 v3, v19;
	v48 =	vld [tilespmem:s22+$0x70];
	[tilespmem:v44+s14+$0x0] =	vst.idx.msk $0xffff, v43  }
0x7d: {  	v49 =	vadd.s32 v1, v41;
	v26 =	vld [tilespmem:s30+$0x50];
	[tilespmem:v45+s14+$0x0] =	vst.idx.msk $0xffff, v23  }
0x7e: {  	v50 =	vadd.s32 v1, v31;
	[tilespmem:v46+s14+$0x0] =	vst.idx.msk $0xffff, v21;
	v23 =	vld [tilespmem:s30+$0xFFFFFFD0]  }
0x7f: {  	[tilespmem:v22+s14+$0x0] =	vst.idx.msk $0xffff, v34;
	v21 =	vld [tilespmem:s30+$0x10];
	v22 =	vadd.s32 v1, v32  }
0x80: {  	v51 =	vadd.s32 v1, v33;
	[tilespmem:v20+s14+$0x0] =	vst.idx.msk $0xffff, v47;
	v20 =	vld [tilespmem:s30+$0xFFFFFF90]  }
0x81: {  	v53 =	vadd.s32 v2, v17;
	v52 =	vld [tilespmem:s22+$0x20];
	[tilespmem:v19+s14+$0x0] =	vst.idx.msk $0xffff, v48  }
0x82: {  	v18 =	vadd.s32 v3, v18;
	v19 =	vld [tilespmem:s22+$0xFFFFFFF0];
	[tilespmem:v49+s14+$0x0] =	vst.idx.msk $0xffff, v26  }
0x83: {  	v54 =	vadd.s32 v2, v41;
	v26 =	vld [tilespmem:s30+$0x60];
	[tilespmem:v50+s14+$0x0] =	vst.idx.msk $0xffff, v23  }
0x84: {  	v55 =	vadd.s32 v2, v31;
	[tilespmem:v22+s14+$0x0] =	vst.idx.msk $0xffff, v21;
	v23 =	vld [tilespmem:s30+$0xFFFFFFE0]  }
0x85: {  	v21 =	vadd.s32 v2, v32;
	[tilespmem:v51+s14+$0x0] =	vst.idx.msk $0xffff, v20;
	v20 =	vld [tilespmem:s30+$0x20]  }
0x86: {  	v56 =	vadd.s32 v2, v33;
	[tilespmem:v53+s14+$0x0] =	vst.idx.msk $0xffff, v52;
	v22 =	vld [tilespmem:s30+$0xFFFFFFA0]  }
0x87: {  	v17 =	vadd.s32 v3, v17;
	v25 =	vld [tilespmem:s22+$0x30];
	[tilespmem:v18+s14+$0x0] =	vst.idx.msk $0xffff, v19  }
0x88: {  	v16 =	vadd.s32 v3, v16;
	v18 =	vld [tilespmem:s22+$0xFFFFFFB0];
	[tilespmem:v54+s14+$0x0] =	vst.idx.msk $0xffff, v26  }
0x89: {  	v57 =	vadd.s32 v3, v41;
	v19 =	vld [tilespmem:s30+$0x70];
	[tilespmem:v55+s14+$0x0] =	vst.idx.msk $0xffff, v23  }
0x8a: {  	v58 =	vadd.s32 v3, v31;
	[tilespmem:v21+s14+$0x0] =	vst.idx.msk $0xffff, v20;
	v23 =	vld [tilespmem:s30+$0xFFFFFFF0]  }
0x8b: {  	v21 =	vadd.s32 v3, v32;
	[tilespmem:v56+s14+$0x0] =	vst.idx.msk $0xffff, v22;
	v20 =	vld [tilespmem:s30+$0x30]  }
0x8c: {  	[tilespmem:v17+s14+$0x0] =	vst.idx.msk $0xffff, v25;
	v22 =	vadd.s32 v3, v33;
	v17 =	vld [tilespmem:s30+$0xFFFFFFB0]  }
0x8d: {  	[tilespmem:v16+s14+$0x0] =	vst.idx.msk $0xffff, v18  }
0x8e: {  	[tilespmem:v57+s14+$0x0] =	vst.idx.msk $0xffff, v19  }
0x8f: {  	[tilespmem:v58+s14+$0x0] =	vst.idx.msk $0xffff, v23  }
0x90: {  	[tilespmem:v21+s14+$0x0] =	vst.idx.msk $0xffff, v20  }
0x91: {  	s23 =	simm.s32 $0x22F0;
	[tilespmem:v22+s14+$0x0] =	vst.idx.msk $0xffff, v17  }
0x92: {  	v17 =	vadd.s32 v4, v14;
	v16 =	vld [tilespmem:s23+$0xFFFFFFD0]  }
0x93: {  	v19 =	vadd.s32 v4, v9;
	v18 =	vld [tilespmem:s23+$0xFFFFFF10];
	_ =	sdelay $0x1  }
0x94: {  	v21 =	vadd.s32 v4, v13;
	v20 =	vld [tilespmem:s23+$0xFFFFFF50];
	_ =	sdelay $0x1  }
0x95: {  	[tilespmem:v17+s14+$0x0] =	vst.idx.msk $0xffff, v16  }
0x96: {  	v17 =	vadd.s32 v5, v14;
	[tilespmem:v19+s14+$0x0] =	vst.idx.msk $0xffff, v18;
	v16 =	vld [tilespmem:s23+$0xFFFFFFE0]  }
0x97: {  	v19 =	vadd.s32 v5, v9;
	v18 =	vld [tilespmem:s23+$0xFFFFFF20]  }
0x98: {  	v23 =	vadd.s32 v4, v12;
	v22 =	vld [tilespmem:s23+$0xFFFFFF90];
	[tilespmem:v21+s14+$0x0] =	vst.idx.msk $0xffff, v20  }
0x99: {  	v21 =	vadd.s32 v5, v13;
	v20 =	vld [tilespmem:s23+$0xFFFFFF60]  }
0x9a: {  	s22 =	simm.s32 $0x23F0  }
0x9b: {  	v59 =	vadd.s32 v4, v11;
	v24 =	vld [tilespmem:s22+$0xFFFFFFD0];
	[tilespmem:v17+s14+$0x0] =	vst.idx.msk $0xffff, v16  }
0x9c: {  	v17 =	vadd.s32 v6, v14;
	[tilespmem:v19+s14+$0x0] =	vst.idx.msk $0xffff, v18;
	v16 =	vld [tilespmem:s23+$0xFFFFFFF0]  }
0x9d: {  	[tilespmem:v23+s14+$0x0] =	vst.idx.msk $0xffff, v22;
	v19 =	vadd.s32 v6, v9;
	v18 =	vld [tilespmem:s23+$0xFFFFFF30]  }
0x9e: {  	v23 =	vadd.s32 v5, v12;
	v22 =	vld [tilespmem:s23+$0xFFFFFFA0];
	[tilespmem:v21+s14+$0x0] =	vst.idx.msk $0xffff, v20  }
0x9f: {  	v15 =	vand.u32 $0x7C, v15;
	v21 =	vadd.s32 v6, v13;
	v20 =	vld [tilespmem:s23+$0xFFFFFF70]  }
0xa0: {  	v60 =	vadd.s32 v4, v15;
	v26 =	vld [tilespmem:s22+$0xFFFFFF10];
	[tilespmem:v59+s14+$0x0] =	vst.idx.msk $0xffff, v24  }
0xa1: {  	v61 =	vadd.s32 v5, v11;
	v24 =	vld [tilespmem:s22+$0xFFFFFFE0];
	[tilespmem:v17+s14+$0x0] =	vst.idx.msk $0xffff, v16  }
0xa2: {  	[tilespmem:v19+s14+$0x0] =	vst.idx.msk $0xffff, v18;
	v17 =	vld [tilespmem:s22+$0xFFFFFF50];
	v18 =	vadd.s32 v4, v10  }
0xa3: {  	[tilespmem:v23+s14+$0x0] =	vst.idx.msk $0xffff, v22;
	v22 =	vadd.s32 v4, v8;
	v19 =	vld [tilespmem:s22+$0xFFFFFF90]  }
0xa4: {  	v23 =	vadd.s32 v6, v12;
	[tilespmem:v21+s14+$0x0] =	vst.idx.msk $0xffff, v20;
	v20 =	vld [tilespmem:s23+$0xFFFFFFB0]  }
0xa5: {  	[tilespmem:v60+s14+$0x0] =	vst.idx.msk $0xffff, v26;
	v14 =	vadd.s32 v7, v14;
	v16 =	vld [tilespmem:s23+$0x0]  }
0xa6: {  	v62 =	vadd.s32 v5, v15;
	v26 =	vld [tilespmem:s22+$0xFFFFFF20];
	[tilespmem:v61+s14+$0x0] =	vst.idx.msk $0xffff, v24  }
0xa7: {  	v63 =	vadd.s32 v7, v13;
	v28 =	vld [tilespmem:s23+$0xFFFFFF80];
	[tilespmem:v18+s14+$0x0] =	vst.idx.msk $0xffff, v17  }
0xa8: {  	[tilespmem:v22+s14+$0x0] =	vst.idx.msk $0xffff, v19;
	v22 =	vadd.s32 v5, v10;
	v21 =	vld [tilespmem:s22+$0xFFFFFF60]  }
0xa9: {  	[tilespmem:v23+s14+$0x0] =	vst.idx.msk $0xffff, v20;
	v20 =	vadd.s32 v5, v8;
	v19 =	vld [tilespmem:s22+$0xFFFFFFA0]  }
0xaa: {  	v18 =	vadd.s32 v7, v12;
	[tilespmem:v14+s14+$0x0] =	vst.idx.msk $0xffff, v16;
	v14 =	vld [tilespmem:s23+$0xFFFFFFC0]  }
0xab: {  	[tilespmem:v62+s14+$0x0] =	vst.idx.msk $0xffff, v26;
	v12 =	vld [tilespmem:s22+$0xFFFFFFF0];
	v16 =	vadd.s32 v6, v11  }
0xac: {  	s24 =	simm.s32 $0xC;
	s25 =	simm.s32 $0xB;
	v13 =	vld [tilespmem:s22+$0xFFFFFF30];
	v17 =	vadd.s32 v6, v15;
	[tilespmem:v63+s14+$0x0] =	vst.idx.msk $0xffff, v28  }
.LBB2_5:
0xad: {  	p0 =	slt.u32 s24, $0x7C;
	v23 =	vmov s25;
	[tilespmem:v22+s14+$0x0] =	vst.idx.msk $0xffff, v21;
	v21 =	vld [tilespmem:s23+$0xFFFFFF40];
	v22 =	vadd.s32 v7, v9;
	v9 =	vmov v15;
	s23 =	smov.u32 s22  }
0xae: {  	v15 =	vmov s21;
	v25 =	vadd.s32 v6, v10;
	s22 =	sadd.s32 $0x100, s22;
	v23 =	vand.u32 $0x7F, v23;
	v24 =	vld [tilespmem:s23+$0xFFFFFF70];
	[tilespmem:v20+s14+$0x0] =	vst.idx.msk $0xffff, v19  }
0xaf: {  	s25 =	sadd.s32 $0x1, s21;
	v15 =	vand.u32 $0x7C, v15;
	v19 =	vld [tilespmem:s22+$0xFFFFFFD0];
	v20 =	vadd.s32 v4, v23;
	[tilespmem:v18+s14+$0x0] =	vst.idx.msk $0xffff, v14  }
0xb0: {  	v26 =	vmov s25;
	s25 =	sadd.s32 $0x2, s21;
	s21 =	smov.u32 s24;
	v18 =	vadd.s32 v4, v15;
	v14 =	vld [tilespmem:s22+$0xFFFFFF10];
	[tilespmem:v16+s14+$0x0] =	vst.idx.msk $0xffff, v12  }
0xb1: {  	v12 =	vand.u32 $0x7D, v26;
	v16 =	vmov s25;
	[tilespmem:v17+s14+$0x0] =	vst.idx.msk $0xffff, v13;
	v13 =	vld [tilespmem:s23+$0x0];
	v17 =	vadd.s32 v7, v11;
	v11 =	vmovc v23  }
0xb2: {  	v26 =	vadd.s32 v4, v12;
	v16 =	vand.u32 $0x7E, v16;
	v23 =	vld [tilespmem:s22+$0xFFFFFF50];
	[tilespmem:v22+s14+$0x0] =	vst.idx.msk $0xffff, v21  }
0xb3: {  	v28 =	vadd.s32 v4, v16;
	v27 =	vld [tilespmem:s22+$0xFFFFFF90];
	[tilespmem:v25+s14+$0x0] =	vst.idx.msk $0xffff, v24  }
0xb4: {  	v25 =	vadd.s32 v6, v8;
	[tilespmem:v20+s14+$0x0] =	vst.idx.msk $0xffff, v19;
	v24 =	vld [tilespmem:s23+$0xFFFFFFB0]  }
0xb5: {  	[tilespmem:v18+s14+$0x0] =	vst.idx.msk $0xffff, v14;
	v14 =	vld [tilespmem:s22+$0xFFFFFFE0];
	v18 =	vadd.s32 v5, v11  }
0xb6: {  	v30 =	vadd.s32 v5, v15;
	v29 =	vld [tilespmem:s22+$0xFFFFFF20];
	[tilespmem:v17+s14+$0x0] =	vst.idx.msk $0xffff, v13  }
0xb7: {  	[tilespmem:v26+s14+$0x0] =	vst.idx.msk $0xffff, v23;
	v23 =	vld [tilespmem:s23+$0xFFFFFF80];
	v26 =	vadd.s32 v7, v10;
	v10 =	vmov v12  }
.Ltmp1:
0xb8: {  	v21 =	vld [tilespmem:s22+$0xFFFFFF60];
	v22 =	vadd.s32 v5, v10;
	[tilespmem:v28+s14+$0x0] =	vst.idx.msk $0xffff, v27;
	(pc) =	sbr.rel @p0 .LBB2_5-.Ltmp1, $4  }
0xb9: {  	v20 =	vadd.s32 v5, v16;
	v19 =	vld [tilespmem:s22+$0xFFFFFFA0];
	[tilespmem:v25+s14+$0x0] =	vst.idx.msk $0xffff, v24  }
0xba: {  	[tilespmem:v18+s14+$0x0] =	vst.idx.msk $0xffff, v14;
	v14 =	vld [tilespmem:s23+$0xFFFFFFC0];
	v18 =	vadd.s32 v7, v8;
	v8 =	vmov v16  }
0xbb: {  	v16 =	vadd.s32 v6, v11;
	[tilespmem:v30+s14+$0x0] =	vst.idx.msk $0xffff, v29;
	v12 =	vld [tilespmem:s22+$0xFFFFFFF0]  }
0xbc: {  	s24 =	sadd.s32 $0x4, s24;
	s25 =	sadd.s32 $0x3, s21;
	v17 =	vadd.s32 v6, v15;
	v13 =	vld [tilespmem:s22+$0xFFFFFF30];
	[tilespmem:v26+s14+$0x0] =	vst.idx.msk $0xffff, v23  }
0xbd: {  	_ =	sdelay $0x2  }
0xbe: {  	v23 =	vmov s25  }
0xbf: {  	s24 =	sadd.s32 $0x1, s21;
	[tilespmem:v22+s14+$0x0] =	vst.idx.msk $0xffff, v21;
	v29 =	vld [tilespmem:s23+$0xFFFFFF40];
	v9 =	vadd.s32 v7, v9;
	s30 =	sadd.s32 $0x100, s22;
	v25 =	vmov s21;
	v30 =	vand.u32 $0x7F, v23  }
0xc0: {  	s31 =	sadd.s32 $0x2, s21;
	v31 =	vmov s24;
	[tilespmem:v20+s14+$0x0] =	vst.idx.msk $0xffff, v19;
	v32 =	vld [tilespmem:s30+$0xFFFFFFD0];
	v25 =	vand.u32 $0x7C, v25;
	v33 =	vadd.s32 v4, v30  }
0xc1: {  	v24 =	vmov s31;
	v26 =	vld [tilespmem:s30+$0xFFFFFF10];
	v23 =	vand.u32 $0x7D, v31;
	[tilespmem:v18+s14+$0x0] =	vst.idx.msk $0xffff, v14;
	v38 =	vadd.s32 v4, v25  }
0xc2: {  	v34 =	vld [tilespmem:s30+$0xFFFFFF50];
	v24 =	vand.u32 $0x7E, v24;
	v35 =	vadd.s32 v4, v23;
	[tilespmem:v16+s14+$0x0] =	vst.idx.msk $0xffff, v12  }
0xc3: {  	v36 =	vld [tilespmem:s30+$0xFFFFFF90];
	v37 =	vadd.s32 v4, v24;
	[tilespmem:v17+s14+$0x0] =	vst.idx.msk $0xffff, v13  }
0xc4: {  	v40 =	vadd.s32 v6, v10;
	v39 =	vld [tilespmem:s22+$0xFFFFFF70];
	[tilespmem:v9+s14+$0x0] =	vst.idx.msk $0xffff, v29  }
0xc5: {  	v48 =	vadd.s32 v6, v8;
	v47 =	vld [tilespmem:s22+$0xFFFFFFB0];
	[tilespmem:v33+s14+$0x0] =	vst.idx.msk $0xffff, v32  }
0xc6: {  	v42 =	vadd.s32 v5, v30;
	[tilespmem:v38+s14+$0x0] =	vst.idx.msk $0xffff, v26;
	v19 =	vld [tilespmem:s30+$0xFFFFFFE0]  }
0xc7: {  	v46 =	vadd.s32 v5, v25;
	[tilespmem:v35+s14+$0x0] =	vst.idx.msk $0xffff, v34;
	v45 =	vld [tilespmem:s30+$0xFFFFFF20]  }
0xc8: {  	v43 =	vadd.s32 v5, v23;
	[tilespmem:v37+s14+$0x0] =	vst.idx.msk $0xffff, v36;
	v14 =	vld [tilespmem:s30+$0xFFFFFF60]  }
0xc9: {  	v44 =	vadd.s32 v5, v24;
	[tilespmem:v40+s14+$0x0] =	vst.idx.msk $0xffff, v39;
	v12 =	vld [tilespmem:s30+$0xFFFFFFA0]  }
0xca: {  	v11 =	vadd.s32 v7, v11;
	v41 =	vld [tilespmem:s22+$0x0];
	[tilespmem:v48+s14+$0x0] =	vst.idx.msk $0xffff, v47  }
0xcb: {  	v8 =	vadd.s32 v7, v8;
	v17 =	vld [tilespmem:s22+$0xFFFFFFC0];
	[tilespmem:v42+s14+$0x0] =	vst.idx.msk $0xffff, v19  }
0xcc: {  	v51 =	vadd.s32 v6, v30;
	[tilespmem:v46+s14+$0x0] =	vst.idx.msk $0xffff, v45;
	v19 =	vld [tilespmem:s30+$0xFFFFFFF0]  }
0xcd: {  	v56 =	vadd.s32 v6, v25;
	[tilespmem:v43+s14+$0x0] =	vst.idx.msk $0xffff, v14;
	v55 =	vld [tilespmem:s30+$0xFFFFFF30]  }
0xce: {  	v52 =	vadd.s32 v6, v23;
	[tilespmem:v44+s14+$0x0] =	vst.idx.msk $0xffff, v12;
	v14 =	vld [tilespmem:s30+$0xFFFFFF70]  }
0xcf: {  	v54 =	vadd.s32 v6, v24;
	[tilespmem:v11+s14+$0x0] =	vst.idx.msk $0xffff, v41;
	v53 =	vld [tilespmem:s30+$0xFFFFFFB0]  }
0xd0: {  	v58 =	vadd.s32 v7, v15;
	v57 =	vld [tilespmem:s22+$0xFFFFFF40];
	[tilespmem:v8+s14+$0x0] =	vst.idx.msk $0xffff, v17  }
0xd1: {  	v50 =	vadd.s32 v7, v10;
	v49 =	vld [tilespmem:s22+$0xFFFFFF80];
	[tilespmem:v51+s14+$0x0] =	vst.idx.msk $0xffff, v19  }
0xd2: {  	v60 =	vadd.s32 v7, v30;
	[tilespmem:v56+s14+$0x0] =	vst.idx.msk $0xffff, v55;
	v59 =	vld [tilespmem:s30+$0x0]  }
0xd3: {  	v63 =	vadd.s32 v7, v25;
	[tilespmem:v52+s14+$0x0] =	vst.idx.msk $0xffff, v14;
	v8 =	vld [tilespmem:s30+$0xFFFFFF40]  }
0xd4: {  	v61 =	vadd.s32 v7, v23;
	[tilespmem:v54+s14+$0x0] =	vst.idx.msk $0xffff, v53;
	v14 =	vld [tilespmem:s30+$0xFFFFFF80]  }
0xd5: {  	v62 =	vadd.s32 v7, v24;
	[tilespmem:v58+s14+$0x0] =	vst.idx.msk $0xffff, v57;
	v9 =	vld [tilespmem:s30+$0xFFFFFFC0]  }
0xd6: {  	[tilespmem:v50+s14+$0x0] =	vst.idx.msk $0xffff, v49  }
0xd7: {  	s24 =	sshll.u32 s20, $0x14;
	[tilespmem:v60+s14+$0x0] =	vst.idx.msk $0xffff, v59  }
0xd8: {  	s21 =	sor.u32 s7, s24;
	[tilespmem:v63+s14+$0x0] =	vst.idx.msk $0xffff, v8  }
0xd9: {  	s21 =	sshrl.u32 s21, $0x3;
	[tilespmem:v61+s14+$0x0] =	vst.idx.msk $0xffff, v14  }
0xda: {  	s25 =	simm.s32 $0x8200;
	s23 =	sadd.s32 s1, s21;
	[tilespmem:v62+s14+$0x0] =	vst.idx.msk $0xffff, v9  }
0xdb: {  	[hbm4b:s23+s2] =	stream.linear.scatter [tilespmem:s25], [sflag:$0x3], $0x80, $0x38;
	[tilespmem:$0x10A00] =	vst v63  }
0xdc: {  	s26 =	simm.s32 $0x8288;
	s29 =	sadd.s32 $0x10, s23  }
0xdd: {  	[hbm4b:s29+s2] =	stream.linear.scatter [tilespmem:s26], [sflag:$0x3], $0x80, $0x38;
	[tilespmem:$0x10A00] =	vst v63  }
0xde: {  	s31 =	sadd.s32 $0x20, s23;
	s30 =	simm.s32 $0x8310  }
0xdf: {  	[hbm4b:s31+s2] =	stream.linear.scatter [tilespmem:s30], [sflag:$0x3], $0x80, $0x38;
	[tilespmem:$0x10A00] =	vst v63  }
0xe0: {  	s24 =	simm.s32 $0x8398;
	s25 =	sadd.s32 $0x30, s23  }
0xe1: {  	[hbm4b:s25+s2] =	stream.linear.scatter [tilespmem:s24], [sflag:$0x3], $0x80, $0x38;
	[tilespmem:$0x10A00] =	vst v63  }
0xe2: {  	s26 =	simm.s32 $0x8420;
	s29 =	sadd.s32 $0x40, s23  }
0xe3: {  	[hbm4b:s29+s2] =	stream.linear.scatter [tilespmem:s26], [sflag:$0x3], $0x80, $0x38;
	[tilespmem:$0x10A00] =	vst v63  }
0xe4: {  	s30 =	simm.s32 $0x84A8;
	s31 =	sadd.s32 $0x50, s23  }
0xe5: {  	[hbm4b:s31+s2] =	stream.linear.scatter [tilespmem:s30], [sflag:$0x3], $0x80, $0x38;
	[tilespmem:$0x10A00] =	vst v63  }
0xe6: {  	s24 =	simm.s32 $0x8530;
	s25 =	sadd.s32 $0x60, s23  }
0xe7: {  	[hbm4b:s25+s2] =	stream.linear.scatter [tilespmem:s24], [sflag:$0x3], $0x80, $0x38;
	[tilespmem:$0x10A00] =	vst v63  }
0xe8: {  	s26 =	simm.s32 $0x85B8;
	s29 =	sadd.s32 $0x70, s23  }
0xe9: {  	[hbm4b:s29+s2] =	stream.linear.scatter [tilespmem:s26], [sflag:$0x3], $0x80, $0x38;
	[tilespmem:$0x10A00] =	vst v63  }
0xea: {  	s30 =	simm.s32 $0x8640;
	s31 =	sadd.s32 $0x80, s23  }
0xeb: {  	[hbm4b:s31+s2] =	stream.linear.scatter [tilespmem:s30], [sflag:$0x3], $0x80, $0x38;
	[tilespmem:$0x10A00] =	vst v63  }
0xec: {  	s24 =	simm.s32 $0x86C8;
	s25 =	sadd.s32 $0x90, s23  }
0xed: {  	[hbm4b:s25+s2] =	stream.linear.scatter [tilespmem:s24], [sflag:$0x3], $0x80, $0x38;
	[tilespmem:$0x10A00] =	vst v63  }
0xee: {  	s28 =	sadd.s32 $0xF0, s23;
	s26 =	simm.s32 $0x8750;
	s29 =	sadd.s32 $0xA0, s23  }
0xef: {  	[hbm4b:s29+s2] =	stream.linear.scatter [tilespmem:s26], [sflag:$0x3], $0x80, $0x38;
	[tilespmem:$0x10A00] =	vst v63  }
0xf0: {  	s22 =	simm.s32 $0x880;
	s30 =	simm.s32 $0x87D8;
	s31 =	sadd.s32 $0xB0, s23  }
0xf1: {  	[hbm4b:s31+s2] =	stream.linear.scatter [tilespmem:s30], [sflag:$0x3], $0x80, $0x38;
	[tilespmem:$0x10A00] =	vst v63  }
0xf2: {  	s24 =	simm.s32 $0x8860;
	s25 =	sadd.s32 $0xC0, s23;
	s26 =	simm.s32 $0x88E8  }
0xf3: {  	[hbm4b:s25+s2] =	stream.linear.scatter [tilespmem:s24], [sflag:$0x3], $0x80, $0x38;
	[tilespmem:$0x10A00] =	vst v63  }
0xf4: {  	s29 =	sadd.s32 $0xD0, s23;
	s30 =	simm.s32 $0x8970;
	s31 =	sadd.s32 $0xE0, s23  }
0xf5: {  	[hbm4b:s29+s2] =	stream.linear.scatter [tilespmem:s26], [sflag:$0x3], $0x80, $0x38;
	[tilespmem:$0x10A00] =	vst v63  }
0xf6: {  	s23 =	sadd.s32 $0x4000, s23;
	s24 =	simm.s32 $0x89F8;
	s26 =	simm.s32 $0x4400  }
0xf7: {  	[hbm4b:s31+s2] =	stream.linear.scatter [tilespmem:s30], [sflag:$0x3], $0x80, $0x38;
	[tilespmem:$0x10A00] =	vst v63  }
.LBB2_7:
0xf8: {  	[hbm4b:s28+s2] =	stream.linear.scatter [tilespmem:s24], [sflag:$0x3], $0x80, $0x38;
	[tilespmem:$0x10A00] =	vst v63  }
0xf9: {  	s24 =	smov.u32 s22;
	s22 =	smov.u32 s26  }
0xfa: {  	s25 =	sadd.s32 $0x2200, s26;
	s22 =	sshra.s32 s22, $0x2;
	s28 =	sadd.s32 $0x8200, s24  }
0xfb: {  	[hbm4b:s23+s2] =	stream.linear.scatter [tilespmem:s28], [sflag:$0x3], $0x80, $0x38;
	[tilespmem:$0x10A00] =	vst v63  }
0xfc: {  	p0 =	sne.s32 s26, $0xEE00;
	s26 =	sadd.s32 $0x8288, s24;
	s28 =	sadd.s32 $0x10, s23  }
0xfd: {  	[hbm4b:s28+s2] =	stream.linear.scatter [tilespmem:s26], [sflag:$0x3], $0x80, $0x38;
	[tilespmem:$0x10A00] =	vst v63  }
0xfe: {  	s26 =	sadd.s32 $0x8310, s24;
	s28 =	sadd.s32 $0x20, s23  }
0xff: {  	[hbm4b:s28+s2] =	stream.linear.scatter [tilespmem:s26], [sflag:$0x3], $0x80, $0x38;
	[tilespmem:$0x10A00] =	vst v63  }
0x100: {  	s26 =	sadd.s32 $0x8398, s24;
	s28 =	sadd.s32 $0x30, s23  }
0x101: {  	[hbm4b:s28+s2] =	stream.linear.scatter [tilespmem:s26], [sflag:$0x3], $0x80, $0x38;
	[tilespmem:$0x10A00] =	vst v63  }
0x102: {  	s26 =	sadd.s32 $0x8420, s24;
	s28 =	sadd.s32 $0x40, s23  }
0x103: {  	[hbm4b:s28+s2] =	stream.linear.scatter [tilespmem:s26], [sflag:$0x3], $0x80, $0x38;
	[tilespmem:$0x10A00] =	vst v63  }
0x104: {  	s26 =	sadd.s32 $0x84A8, s24;
	s28 =	sadd.s32 $0x50, s23  }
0x105: {  	[hbm4b:s28+s2] =	stream.linear.scatter [tilespmem:s26], [sflag:$0x3], $0x80, $0x38;
	[tilespmem:$0x10A00] =	vst v63  }
0x106: {  	s26 =	sadd.s32 $0x8530, s24;
	s28 =	sadd.s32 $0x60, s23  }
0x107: {  	[hbm4b:s28+s2] =	stream.linear.scatter [tilespmem:s26], [sflag:$0x3], $0x80, $0x38;
	[tilespmem:$0x10A00] =	vst v63  }
0x108: {  	s26 =	sadd.s32 $0x85B8, s24;
	s28 =	sadd.s32 $0x70, s23  }
0x109: {  	[hbm4b:s28+s2] =	stream.linear.scatter [tilespmem:s26], [sflag:$0x3], $0x80, $0x38;
	[tilespmem:$0x10A00] =	vst v63  }
0x10a: {  	s26 =	sadd.s32 $0x8640, s24;
	s28 =	sadd.s32 $0x80, s23  }
0x10b: {  	[hbm4b:s28+s2] =	stream.linear.scatter [tilespmem:s26], [sflag:$0x3], $0x80, $0x38;
	[tilespmem:$0x10A00] =	vst v63  }
0x10c: {  	s26 =	sadd.s32 $0x86C8, s24;
	s28 =	sadd.s32 $0x90, s23  }
0x10d: {  	[hbm4b:s28+s2] =	stream.linear.scatter [tilespmem:s26], [sflag:$0x3], $0x80, $0x38;
	[tilespmem:$0x10A00] =	vst v63  }
0x10e: {  	s26 =	sadd.s32 $0x8750, s24;
	s28 =	sadd.s32 $0xA0, s23  }
0x10f: {  	[hbm4b:s28+s2] =	stream.linear.scatter [tilespmem:s26], [sflag:$0x3], $0x80, $0x38;
	[tilespmem:$0x10A00] =	vst v63  }
0x110: {  	s26 =	sadd.s32 $0x87D8, s24;
	s28 =	sadd.s32 $0xB0, s23  }
0x111: {  	[hbm4b:s28+s2] =	stream.linear.scatter [tilespmem:s26], [sflag:$0x3], $0x80, $0x38;
	[tilespmem:$0x10A00] =	vst v63  }
0x112: {  	s26 =	sadd.s32 $0x8860, s24;
	s28 =	sadd.s32 $0xC0, s23  }
0x113: {  	[hbm4b:s28+s2] =	stream.linear.scatter [tilespmem:s26], [sflag:$0x3], $0x80, $0x38;
	[tilespmem:$0x10A00] =	vst v63  }
.Ltmp2:
0x114: {  	s26 =	sadd.s32 $0x88E8, s24;
	s28 =	sadd.s32 $0xD0, s23;
	(pc) =	sbr.rel @p0 .LBB2_7-.Ltmp2, $4  }
0x115: {  	[hbm4b:s28+s2] =	stream.linear.scatter [tilespmem:s26], [sflag:$0x3], $0x80, $0x38;
	[tilespmem:$0x10A00] =	vst v63  }
0x116: {  	s26 =	sadd.s32 $0x8970, s24;
	s28 =	sadd.s32 $0xE0, s23;
	s24 =	sadd.s32 $0x89F8, s24  }
0x117: {  	[hbm4b:s28+s2] =	stream.linear.scatter [tilespmem:s26], [sflag:$0x3], $0x80, $0x38;
	[tilespmem:$0x10A00] =	vst v63  }
0x118: {  	s28 =	sadd.s32 $0xF0, s23;
	s23 =	sadd.s32 $0x4000, s23;
	s26 =	smov.u32 s25  }
0x119: {  	[hbm4b:s28+s2] =	stream.linear.scatter [tilespmem:s24], [sflag:$0x3], $0x80, $0x38;
	[tilespmem:$0x10A00] =	vst v63  }
0x11a: {  	s26 =	sadd.s32 $0x8200, s22  }
0x11b: {  	[hbm4b:s23+s2] =	stream.linear.scatter [tilespmem:s26], [sflag:$0x3], $0x80, $0x38;
	[tilespmem:$0x10A00] =	vst v63  }
0x11c: {  	s29 =	sadd.s32 $0x8288, s22;
	s25 =	sadd.s32 $0x10, s23  }
0x11d: {  	[hbm4b:s25+s2] =	stream.linear.scatter [tilespmem:s29], [sflag:$0x3], $0x80, $0x38;
	[tilespmem:$0x10A00] =	vst v63  }
0x11e: {  	s30 =	sadd.s32 $0x8310, s22;
	s31 =	sadd.s32 $0x20, s23  }
0x11f: {  	[hbm4b:s31+s2] =	stream.linear.scatter [tilespmem:s30], [sflag:$0x3], $0x80, $0x38;
	[tilespmem:$0x10A00] =	vst v63  }
0x120: {  	s26 =	sadd.s32 $0x8398, s22;
	s29 =	sadd.s32 $0x30, s23  }
0x121: {  	[hbm4b:s29+s2] =	stream.linear.scatter [tilespmem:s26], [sflag:$0x3], $0x80, $0x38;
	[tilespmem:$0x10A00] =	vst v63  }
0x122: {  	s30 =	sadd.s32 $0x8420, s22;
	s31 =	sadd.s32 $0x40, s23  }
0x123: {  	[hbm4b:s31+s2] =	stream.linear.scatter [tilespmem:s30], [sflag:$0x3], $0x80, $0x38;
	[tilespmem:$0x10A00] =	vst v63  }
0x124: {  	s26 =	sadd.s32 $0x84A8, s22;
	s29 =	sadd.s32 $0x50, s23  }
0x125: {  	[hbm4b:s29+s2] =	stream.linear.scatter [tilespmem:s26], [sflag:$0x3], $0x80, $0x38;
	[tilespmem:$0x10A00] =	vst v63  }
0x126: {  	s30 =	sadd.s32 $0x8530, s22;
	s31 =	sadd.s32 $0x60, s23  }
0x127: {  	[hbm4b:s31+s2] =	stream.linear.scatter [tilespmem:s30], [sflag:$0x3], $0x80, $0x38;
	[tilespmem:$0x10A00] =	vst v63  }
0x128: {  	s26 =	sadd.s32 $0x85B8, s22;
	s29 =	sadd.s32 $0x70, s23  }
0x129: {  	[hbm4b:s29+s2] =	stream.linear.scatter [tilespmem:s26], [sflag:$0x3], $0x80, $0x38;
	[tilespmem:$0x10A00] =	vst v63  }
0x12a: {  	s30 =	sadd.s32 $0x8640, s22;
	s31 =	sadd.s32 $0x80, s23  }
0x12b: {  	[hbm4b:s31+s2] =	stream.linear.scatter [tilespmem:s30], [sflag:$0x3], $0x80, $0x38;
	[tilespmem:$0x10A00] =	vst v63  }
0x12c: {  	s26 =	sadd.s32 $0x86C8, s22;
	s29 =	sadd.s32 $0x90, s23  }
0x12d: {  	[hbm4b:s29+s2] =	stream.linear.scatter [tilespmem:s26], [sflag:$0x3], $0x80, $0x38;
	[tilespmem:$0x10A00] =	vst v63  }
0x12e: {  	s30 =	sadd.s32 $0x8750, s22;
	s31 =	sadd.s32 $0xA0, s23  }
0x12f: {  	[hbm4b:s31+s2] =	stream.linear.scatter [tilespmem:s30], [sflag:$0x3], $0x80, $0x38;
	[tilespmem:$0x10A00] =	vst v63  }
0x130: {  	s26 =	sadd.s32 $0x87D8, s22;
	s29 =	sadd.s32 $0xB0, s23  }
0x131: {  	[hbm4b:s29+s2] =	stream.linear.scatter [tilespmem:s26], [sflag:$0x3], $0x80, $0x38;
	[tilespmem:$0x10A00] =	vst v63  }
0x132: {  	s30 =	sadd.s32 $0x8860, s22;
	s31 =	sadd.s32 $0xC0, s23  }
0x133: {  	[hbm4b:s31+s2] =	stream.linear.scatter [tilespmem:s30], [sflag:$0x3], $0x80, $0x38;
	[tilespmem:$0x10A00] =	vst v63  }
0x134: {  	s26 =	sadd.s32 $0x88E8, s22;
	s29 =	sadd.s32 $0xD0, s23  }
0x135: {  	[hbm4b:s29+s2] =	stream.linear.scatter [tilespmem:s26], [sflag:$0x3], $0x80, $0x38;
	[tilespmem:$0x10A00] =	vst v63  }
0x136: {  	s30 =	sadd.s32 $0x8970, s22;
	s31 =	sadd.s32 $0xE0, s23  }
0x137: {  	[hbm4b:s31+s2] =	stream.linear.scatter [tilespmem:s30], [sflag:$0x3], $0x80, $0x38;
	[tilespmem:$0x10A00] =	vst v63  }
0x138: {  	s26 =	sadd.s32 $0x89F8, s22;
	s29 =	sadd.s32 $0xF0, s23  }
0x139: {  	[hbm4b:s29+s2] =	stream.linear.scatter [tilespmem:s26], [sflag:$0x3], $0x80, $0x38;
	[tilespmem:$0x10A00] =	vst v63  }
0x13a: {  	s30 =	simm.s32 $0x3;
	_ =	swait.ge [sflag:s15], $0x4000  }
0x13b: {  	v8 =	vmov s30;
	[sflag:s15] =	ssyncset.done $0x0  }
0x13c: {  	s24 =	simm.s32 $0x42F0;
	s31 =	simm.s32 $0x0;
	v14 =	vand.u32 $0x7F, v8;
	[sflag:s15] =	ssyncadd.s32 $0xFFFFC000  }
0x13d: {  	s23 =	simm.s32 $0x1;
	v8 =	vmov s31;
	v11 =	vadd.s32 v0, v14;
	v10 =	vld [tilespmem:s24+$0xFFFFFFD0]  }
0x13e: {  	v9 =	vand.u32 $0x7C, v8;
	v8 =	vmov s23  }
0x13f: {  	v16 =	vadd.s32 v0, v9;
	v13 =	vand.u32 $0x7D, v8;
	v15 =	vld [tilespmem:s24+$0xFFFFFF10]  }
0x140: {  	v17 =	vadd.s32 v0, v13;
	v8 =	vld [tilespmem:s24+$0xFFFFFF50]  }
0x141: {  	s25 =	simm.s32 $0x2  }
0x142: {  	v12 =	vmov s25;
	[tilespmem:v11+s16+$0x0] =	vst.idx.msk $0xffff, v10  }
0x143: {  	v12 =	vand.u32 $0x7E, v12;
	v11 =	vadd.s32 v1, v14;
	v10 =	vld [tilespmem:s24+$0xFFFFFFE0]  }
0x144: {  	v19 =	vadd.s32 v0, v12;
	v18 =	vld [tilespmem:s24+$0xFFFFFF90];
	[tilespmem:v16+s16+$0x0] =	vst.idx.msk $0xffff, v15  }
0x145: {  	v16 =	vadd.s32 v1, v9;
	[tilespmem:v17+s16+$0x0] =	vst.idx.msk $0xffff, v8;
	v15 =	vld [tilespmem:s24+$0xFFFFFF20]  }
0x146: {  	v17 =	vadd.s32 v1, v13;
	v8 =	vld [tilespmem:s24+$0xFFFFFF60];
	_ =	sdelay $0x1  }
0x147: {  	[tilespmem:v11+s16+$0x0] =	vst.idx.msk $0xffff, v10  }
0x148: {  	[tilespmem:v19+s16+$0x0] =	vst.idx.msk $0xffff, v18;
	v18 =	vadd.s32 v2, v14;
	v10 =	vld [tilespmem:s24+$0xFFFFFFF0]  }
0x149: {  	v20 =	vadd.s32 v1, v12;
	s26 =	simm.s32 $0x7;
	v19 =	vld [tilespmem:s24+$0xFFFFFFA0];
	[tilespmem:v16+s16+$0x0] =	vst.idx.msk $0xffff, v15  }
0x14a: {  	s29 =	simm.s32 $0x4;
	v22 =	vadd.s32 v2, v9;
	v11 =	vmov s26;
	[tilespmem:v17+s16+$0x0] =	vst.idx.msk $0xffff, v8;
	v21 =	vld [tilespmem:s24+$0xFFFFFF30]  }
0x14b: {  	s23 =	simm.s32 $0x43F0;
	v23 =	vadd.s32 v2, v13;
	v15 =	vmov s29;
	v11 =	vand.u32 $0x7F, v11;
	v17 =	vld [tilespmem:s24+$0xFFFFFF70]  }
0x14c: {  	s30 =	simm.s32 $0x5;
	v24 =	vld [tilespmem:s23+$0xFFFFFFD0];
	v16 =	vand.u32 $0x7C, v15;
	v25 =	vadd.s32 v0, v11  }
0x14d: {  	s31 =	simm.s32 $0x6;
	v26 =	vld [tilespmem:s23+$0xFFFFFF10];
	v8 =	vmov s30;
	v27 =	vadd.s32 v0, v16;
	[tilespmem:v18+s16+$0x0] =	vst.idx.msk $0xffff, v10  }
0x14e: {  	[tilespmem:v20+s16+$0x0] =	vst.idx.msk $0xffff, v19;
	v19 =	vadd.s32 v3, v14;
	v10 =	vand.u32 $0x7D, v8;
	v8 =	vmov s31;
	v18 =	vld [tilespmem:s24+$0x0]  }
0x14f: {  	v20 =	vld [tilespmem:s23+$0xFFFFFF50];
	[tilespmem:v22+s16+$0x0] =	vst.idx.msk $0xffff, v21;
	v21 =	vadd.s32 v0, v10;
	v8 =	vand.u32 $0x7E, v8  }
0x150: {  	v22 =	vld [tilespmem:s23+$0xFFFFFF90];
	[tilespmem:v23+s16+$0x0] =	vst.idx.msk $0xffff, v17;
	v28 =	vadd.s32 v0, v8  }
0x151: {  	v17 =	vld [tilespmem:s24+$0xFFFFFFB0];
	v23 =	vadd.s32 v2, v12;
	[tilespmem:v25+s16+$0x0] =	vst.idx.msk $0xffff, v24  }
0x152: {  	[tilespmem:v27+s16+$0x0] =	vst.idx.msk $0xffff, v26;
	v25 =	vadd.s32 v1, v11;
	v24 =	vld [tilespmem:s23+$0xFFFFFFE0]  }
0x153: {  	v32 =	vadd.s32 v1, v16;
	v31 =	vld [tilespmem:s23+$0xFFFFFF20];
	[tilespmem:v19+s16+$0x0] =	vst.idx.msk $0xffff, v18  }
0x154: {  	[tilespmem:v21+s16+$0x0] =	vst.idx.msk $0xffff, v20;
	v18 =	vld [tilespmem:s24+$0xFFFFFF80];
	v19 =	vadd.s32 v3, v13  }
0x155: {  	v30 =	vadd.s32 v1, v10;
	v29 =	vld [tilespmem:s23+$0xFFFFFF60];
	[tilespmem:v28+s16+$0x0] =	vst.idx.msk $0xffff, v22  }
0x156: {  	[tilespmem:v23+s16+$0x0] =	vst.idx.msk $0xffff, v17;
	v28 =	vadd.s32 v1, v8;
	v26 =	vld [tilespmem:s23+$0xFFFFFFA0]  }
0x157: {  	v27 =	vadd.s32 v3, v12;
	v23 =	vld [tilespmem:s24+$0xFFFFFFC0];
	[tilespmem:v25+s16+$0x0] =	vst.idx.msk $0xffff, v24  }
0x158: {  	s28 =	simm.s32 $0xB;
	v17 =	vmov v8;
	[tilespmem:v32+s16+$0x0] =	vst.idx.msk $0xffff, v31;
	v24 =	vadd.s32 v2, v11;
	v21 =	vld [tilespmem:s23+$0xFFFFFFF0]  }
0x159: {  	s25 =	simm.s32 $0x8;
	s22 =	simm.s32 $0x8;
	s26 =	simm.s32 $0xC;
	v20 =	vmovc v9;
	v25 =	vadd.s32 v2, v16;
	v22 =	vld [tilespmem:s23+$0xFFFFFF30];
	[tilespmem:v19+s16+$0x0] =	vst.idx.msk $0xffff, v18;
	v18 =	vmov v10;
	v19 =	vmov v11  }
.LBB2_9:
0x15a: {  	p0 =	slt.u32 s26, $0x7C;
	v31 =	vmov s28;
	[tilespmem:v30+s16+$0x0] =	vst.idx.msk $0xffff, v29;
	v29 =	vld [tilespmem:s24+$0xFFFFFF40];
	v30 =	vadd.s32 v3, v20;
	v20 =	vmov v16;
	s24 =	smov.u32 s23  }
0x15b: {  	v16 =	vmov s25;
	v33 =	vadd.s32 v2, v18;
	s23 =	sadd.s32 $0x100, s23;
	v31 =	vand.u32 $0x7F, v31;
	v32 =	vld [tilespmem:s24+$0xFFFFFF70];
	[tilespmem:v28+s16+$0x0] =	vst.idx.msk $0xffff, v26  }
0x15c: {  	s28 =	sadd.s32 $0x1, s25;
	v16 =	vand.u32 $0x7C, v16;
	v26 =	vld [tilespmem:s23+$0xFFFFFFD0];
	v28 =	vadd.s32 v0, v31;
	[tilespmem:v27+s16+$0x0] =	vst.idx.msk $0xffff, v23  }
0x15d: {  	v34 =	vmov s28;
	s28 =	sadd.s32 $0x2, s25;
	s25 =	smov.u32 s26;
	v27 =	vadd.s32 v0, v16;
	v23 =	vld [tilespmem:s23+$0xFFFFFF10];
	[tilespmem:v24+s16+$0x0] =	vst.idx.msk $0xffff, v21  }
0x15e: {  	v21 =	vand.u32 $0x7D, v34;
	v24 =	vmov s28;
	[tilespmem:v25+s16+$0x0] =	vst.idx.msk $0xffff, v22;
	v22 =	vld [tilespmem:s24+$0x0];
	v25 =	vadd.s32 v3, v19;
	v19 =	vmovc v31  }
0x15f: {  	v34 =	vadd.s32 v0, v21;
	v24 =	vand.u32 $0x7E, v24;
	v31 =	vld [tilespmem:s23+$0xFFFFFF50];
	[tilespmem:v30+s16+$0x0] =	vst.idx.msk $0xffff, v29  }
0x160: {  	v36 =	vadd.s32 v0, v24;
	v35 =	vld [tilespmem:s23+$0xFFFFFF90];
	[tilespmem:v33+s16+$0x0] =	vst.idx.msk $0xffff, v32  }
0x161: {  	v33 =	vadd.s32 v2, v17;
	[tilespmem:v28+s16+$0x0] =	vst.idx.msk $0xffff, v26;
	v32 =	vld [tilespmem:s24+$0xFFFFFFB0]  }
0x162: {  	[tilespmem:v27+s16+$0x0] =	vst.idx.msk $0xffff, v23;
	v23 =	vld [tilespmem:s23+$0xFFFFFFE0];
	v27 =	vadd.s32 v1, v19  }
0x163: {  	v38 =	vadd.s32 v1, v16;
	v37 =	vld [tilespmem:s23+$0xFFFFFF20];
	[tilespmem:v25+s16+$0x0] =	vst.idx.msk $0xffff, v22  }
0x164: {  	[tilespmem:v34+s16+$0x0] =	vst.idx.msk $0xffff, v31;
	v31 =	vld [tilespmem:s24+$0xFFFFFF80];
	v34 =	vadd.s32 v3, v18;
	v18 =	vmov v21  }
.Ltmp3:
0x165: {  	v29 =	vld [tilespmem:s23+$0xFFFFFF60];
	v30 =	vadd.s32 v1, v18;
	[tilespmem:v36+s16+$0x0] =	vst.idx.msk $0xffff, v35;
	(pc) =	sbr.rel @p0 .LBB2_9-.Ltmp3, $4  }
0x166: {  	v28 =	vadd.s32 v1, v24;
	v26 =	vld [tilespmem:s23+$0xFFFFFFA0];
	[tilespmem:v33+s16+$0x0] =	vst.idx.msk $0xffff, v32  }
0x167: {  	[tilespmem:v27+s16+$0x0] =	vst.idx.msk $0xffff, v23;
	v23 =	vld [tilespmem:s24+$0xFFFFFFC0];
	v27 =	vadd.s32 v3, v17;
	v17 =	vmov v24  }
0x168: {  	v24 =	vadd.s32 v2, v19;
	[tilespmem:v38+s16+$0x0] =	vst.idx.msk $0xffff, v37;
	v21 =	vld [tilespmem:s23+$0xFFFFFFF0]  }
0x169: {  	s26 =	sadd.s32 $0x4, s26;
	s28 =	sadd.s32 $0x3, s25;
	v25 =	vadd.s32 v2, v16;
	v22 =	vld [tilespmem:s23+$0xFFFFFF30];
	[tilespmem:v34+s16+$0x0] =	vst.idx.msk $0xffff, v31  }
0x16a: {  	_ =	sdelay $0x2  }
0x16b: {  	v31 =	vmov s28;
	s26 =	sadd.s32 $0x1, s25  }
0x16c: {  	[tilespmem:v30+s16+$0x0] =	vst.idx.msk $0xffff, v29;
	v40 =	vld [tilespmem:s24+$0xFFFFFF40];
	v20 =	vadd.s32 v3, v20;
	s30 =	sadd.s32 $0x100, s23;
	s31 =	sadd.s32 $0x2, s25;
	v41 =	vand.u32 $0x7F, v31;
	v42 =	vmov s26  }
0x16d: {  	[tilespmem:v28+s16+$0x0] =	vst.idx.msk $0xffff, v26;
	v43 =	vld [tilespmem:s30+$0xFFFFFFD0];
	v32 =	vmov s31;
	v44 =	vadd.s32 v0, v41;
	v31 =	vand.u32 $0x7D, v42  }
0x16e: {  	v33 =	vmov s25;
	[tilespmem:v27+s16+$0x0] =	vst.idx.msk $0xffff, v23;
	v23 =	vld [tilespmem:s30+$0xFFFFFF50];
	v32 =	vand.u32 $0x7E, v32;
	v45 =	vadd.s32 v0, v31  }
0x16f: {  	v33 =	vand.u32 $0x7C, v33;
	[tilespmem:v24+s16+$0x0] =	vst.idx.msk $0xffff, v21;
	v21 =	vld [tilespmem:s30+$0xFFFFFF90];
	v46 =	vadd.s32 v0, v32  }
0x170: {  	v34 =	vld [tilespmem:s30+$0xFFFFFF10];
	[tilespmem:v25+s16+$0x0] =	vst.idx.msk $0xffff, v22;
	v22 =	vadd.s32 v0, v33  }
0x171: {  	v47 =	vld [tilespmem:s23+$0xFFFFFF70];
	[tilespmem:v20+s16+$0x0] =	vst.idx.msk $0xffff, v40;
	v20 =	vadd.s32 v2, v18  }
0x172: {  	v19 =	vadd.s32 v3, v19;
	v48 =	vld [tilespmem:s23+$0x0];
	[tilespmem:v44+s16+$0x0] =	vst.idx.msk $0xffff, v43  }
0x173: {  	v49 =	vadd.s32 v1, v41;
	v26 =	vld [tilespmem:s30+$0xFFFFFFE0];
	[tilespmem:v45+s16+$0x0] =	vst.idx.msk $0xffff, v23  }
0x174: {  	v50 =	vadd.s32 v1, v31;
	[tilespmem:v46+s16+$0x0] =	vst.idx.msk $0xffff, v21;
	v23 =	vld [tilespmem:s30+$0xFFFFFF60]  }
0x175: {  	[tilespmem:v22+s16+$0x0] =	vst.idx.msk $0xffff, v34;
	v21 =	vld [tilespmem:s30+$0xFFFFFFA0];
	v22 =	vadd.s32 v1, v32  }
0x176: {  	v51 =	vadd.s32 v1, v33;
	[tilespmem:v20+s16+$0x0] =	vst.idx.msk $0xffff, v47;
	v20 =	vld [tilespmem:s30+$0xFFFFFF20]  }
0x177: {  	v53 =	vadd.s32 v2, v17;
	v52 =	vld [tilespmem:s23+$0xFFFFFFB0];
	[tilespmem:v19+s16+$0x0] =	vst.idx.msk $0xffff, v48  }
0x178: {  	v18 =	vadd.s32 v3, v18;
	v19 =	vld [tilespmem:s23+$0xFFFFFF80];
	[tilespmem:v49+s16+$0x0] =	vst.idx.msk $0xffff, v26  }
0x179: {  	v54 =	vadd.s32 v2, v41;
	v26 =	vld [tilespmem:s30+$0xFFFFFFF0];
	[tilespmem:v50+s16+$0x0] =	vst.idx.msk $0xffff, v23  }
0x17a: {  	v55 =	vadd.s32 v2, v31;
	[tilespmem:v22+s16+$0x0] =	vst.idx.msk $0xffff, v21;
	v23 =	vld [tilespmem:s30+$0xFFFFFF70]  }
0x17b: {  	v21 =	vadd.s32 v2, v32;
	[tilespmem:v51+s16+$0x0] =	vst.idx.msk $0xffff, v20;
	v20 =	vld [tilespmem:s30+$0xFFFFFFB0]  }
0x17c: {  	v56 =	vadd.s32 v2, v33;
	[tilespmem:v53+s16+$0x0] =	vst.idx.msk $0xffff, v52;
	v22 =	vld [tilespmem:s30+$0xFFFFFF30]  }
0x17d: {  	v17 =	vadd.s32 v3, v17;
	v25 =	vld [tilespmem:s23+$0xFFFFFFC0];
	[tilespmem:v18+s16+$0x0] =	vst.idx.msk $0xffff, v19  }
0x17e: {  	v16 =	vadd.s32 v3, v16;
	v18 =	vld [tilespmem:s23+$0xFFFFFF40];
	[tilespmem:v54+s16+$0x0] =	vst.idx.msk $0xffff, v26  }
0x17f: {  	v57 =	vadd.s32 v3, v41;
	v19 =	vld [tilespmem:s30+$0x0];
	[tilespmem:v55+s16+$0x0] =	vst.idx.msk $0xffff, v23  }
0x180: {  	v58 =	vadd.s32 v3, v31;
	[tilespmem:v21+s16+$0x0] =	vst.idx.msk $0xffff, v20;
	v23 =	vld [tilespmem:s30+$0xFFFFFF80]  }
0x181: {  	v21 =	vadd.s32 v3, v32;
	[tilespmem:v56+s16+$0x0] =	vst.idx.msk $0xffff, v22;
	v20 =	vld [tilespmem:s30+$0xFFFFFFC0]  }
0x182: {  	[tilespmem:v17+s16+$0x0] =	vst.idx.msk $0xffff, v25;
	v22 =	vadd.s32 v3, v33;
	v17 =	vld [tilespmem:s30+$0xFFFFFF40]  }
0x183: {  	[tilespmem:v16+s16+$0x0] =	vst.idx.msk $0xffff, v18  }
0x184: {  	[tilespmem:v57+s16+$0x0] =	vst.idx.msk $0xffff, v19  }
0x185: {  	[tilespmem:v58+s16+$0x0] =	vst.idx.msk $0xffff, v23  }
0x186: {  	[tilespmem:v21+s16+$0x0] =	vst.idx.msk $0xffff, v20  }
0x187: {  	s24 =	simm.s32 $0x6200;
	[tilespmem:v22+s16+$0x0] =	vst.idx.msk $0xffff, v17  }
0x188: {  	v17 =	vadd.s32 v4, v14;
	v16 =	vld [tilespmem:s24+$0xC0]  }
0x189: {  	v19 =	vadd.s32 v4, v9;
	v18 =	vld [tilespmem:s24+$0x0];
	_ =	sdelay $0x1  }
0x18a: {  	v21 =	vadd.s32 v4, v13;
	v20 =	vld [tilespmem:s24+$0x40];
	_ =	sdelay $0x1  }
0x18b: {  	[tilespmem:v17+s16+$0x0] =	vst.idx.msk $0xffff, v16  }
0x18c: {  	v17 =	vadd.s32 v5, v14;
	[tilespmem:v19+s16+$0x0] =	vst.idx.msk $0xffff, v18;
	v16 =	vld [tilespmem:s24+$0xD0]  }
0x18d: {  	v19 =	vadd.s32 v5, v9;
	v18 =	vld [tilespmem:s24+$0x10]  }
0x18e: {  	v23 =	vadd.s32 v4, v12;
	v22 =	vld [tilespmem:s24+$0x80];
	[tilespmem:v21+s16+$0x0] =	vst.idx.msk $0xffff, v20  }
0x18f: {  	v21 =	vadd.s32 v5, v13;
	v20 =	vld [tilespmem:s24+$0x50]  }
0x190: {  	s23 =	simm.s32 $0x6300  }
0x191: {  	v59 =	vadd.s32 v4, v11;
	v24 =	vld [tilespmem:s23+$0xC0];
	[tilespmem:v17+s16+$0x0] =	vst.idx.msk $0xffff, v16  }
0x192: {  	v17 =	vadd.s32 v6, v14;
	[tilespmem:v19+s16+$0x0] =	vst.idx.msk $0xffff, v18;
	v16 =	vld [tilespmem:s24+$0xE0]  }
0x193: {  	[tilespmem:v23+s16+$0x0] =	vst.idx.msk $0xffff, v22;
	v19 =	vadd.s32 v6, v9;
	v18 =	vld [tilespmem:s24+$0x20]  }
0x194: {  	v23 =	vadd.s32 v5, v12;
	v22 =	vld [tilespmem:s24+$0x90];
	[tilespmem:v21+s16+$0x0] =	vst.idx.msk $0xffff, v20  }
0x195: {  	v15 =	vand.u32 $0x7C, v15;
	v21 =	vadd.s32 v6, v13;
	v20 =	vld [tilespmem:s24+$0x60]  }
0x196: {  	v60 =	vadd.s32 v4, v15;
	v26 =	vld [tilespmem:s23+$0x0];
	[tilespmem:v59+s16+$0x0] =	vst.idx.msk $0xffff, v24  }
0x197: {  	v61 =	vadd.s32 v5, v11;
	v24 =	vld [tilespmem:s23+$0xD0];
	[tilespmem:v17+s16+$0x0] =	vst.idx.msk $0xffff, v16  }
0x198: {  	[tilespmem:v19+s16+$0x0] =	vst.idx.msk $0xffff, v18;
	v17 =	vld [tilespmem:s23+$0x40];
	v18 =	vadd.s32 v4, v10  }
0x199: {  	[tilespmem:v23+s16+$0x0] =	vst.idx.msk $0xffff, v22;
	v22 =	vadd.s32 v4, v8;
	v19 =	vld [tilespmem:s23+$0x80]  }
0x19a: {  	v23 =	vadd.s32 v6, v12;
	[tilespmem:v21+s16+$0x0] =	vst.idx.msk $0xffff, v20;
	v20 =	vld [tilespmem:s24+$0xA0]  }
0x19b: {  	[tilespmem:v60+s16+$0x0] =	vst.idx.msk $0xffff, v26;
	v14 =	vadd.s32 v7, v14;
	v16 =	vld [tilespmem:s24+$0xF0]  }
0x19c: {  	v62 =	vadd.s32 v5, v15;
	v26 =	vld [tilespmem:s23+$0x10];
	[tilespmem:v61+s16+$0x0] =	vst.idx.msk $0xffff, v24  }
0x19d: {  	v63 =	vadd.s32 v7, v13;
	v28 =	vld [tilespmem:s24+$0x70];
	[tilespmem:v18+s16+$0x0] =	vst.idx.msk $0xffff, v17  }
0x19e: {  	[tilespmem:v22+s16+$0x0] =	vst.idx.msk $0xffff, v19;
	v22 =	vadd.s32 v5, v10;
	v21 =	vld [tilespmem:s23+$0x50]  }
0x19f: {  	[tilespmem:v23+s16+$0x0] =	vst.idx.msk $0xffff, v20;
	v20 =	vadd.s32 v5, v8;
	v19 =	vld [tilespmem:s23+$0x90]  }
0x1a0: {  	v18 =	vadd.s32 v7, v12;
	[tilespmem:v14+s16+$0x0] =	vst.idx.msk $0xffff, v16;
	v14 =	vld [tilespmem:s24+$0xB0]  }
0x1a1: {  	[tilespmem:v62+s16+$0x0] =	vst.idx.msk $0xffff, v26;
	v12 =	vld [tilespmem:s23+$0xE0];
	v16 =	vadd.s32 v6, v11  }
0x1a2: {  	s25 =	simm.s32 $0xC;
	s26 =	simm.s32 $0xB;
	v13 =	vld [tilespmem:s23+$0x20];
	v17 =	vadd.s32 v6, v15;
	[tilespmem:v63+s16+$0x0] =	vst.idx.msk $0xffff, v28  }
.LBB2_11:
0x1a3: {  	p0 =	slt.u32 s25, $0x7C;
	v23 =	vmov s26;
	[tilespmem:v22+s16+$0x0] =	vst.idx.msk $0xffff, v21;
	v21 =	vld [tilespmem:s24+$0x30];
	v22 =	vadd.s32 v7, v9;
	v9 =	vmov v15;
	s24 =	smov.u32 s23  }
0x1a4: {  	v15 =	vmov s22;
	v25 =	vadd.s32 v6, v10;
	s23 =	sadd.s32 $0x100, s23;
	v23 =	vand.u32 $0x7F, v23;
	v24 =	vld [tilespmem:s24+$0x60];
	[tilespmem:v20+s16+$0x0] =	vst.idx.msk $0xffff, v19  }
0x1a5: {  	s26 =	sadd.s32 $0x1, s22;
	v15 =	vand.u32 $0x7C, v15;
	v19 =	vld [tilespmem:s23+$0xC0];
	v20 =	vadd.s32 v4, v23;
	[tilespmem:v18+s16+$0x0] =	vst.idx.msk $0xffff, v14  }
0x1a6: {  	v26 =	vmov s26;
	s26 =	sadd.s32 $0x2, s22;
	s22 =	smov.u32 s25;
	v18 =	vadd.s32 v4, v15;
	v14 =	vld [tilespmem:s23+$0x0];
	[tilespmem:v16+s16+$0x0] =	vst.idx.msk $0xffff, v12  }
0x1a7: {  	v12 =	vand.u32 $0x7D, v26;
	v16 =	vmov s26;
	[tilespmem:v17+s16+$0x0] =	vst.idx.msk $0xffff, v13;
	v13 =	vld [tilespmem:s24+$0xF0];
	v17 =	vadd.s32 v7, v11;
	v11 =	vmovc v23  }
0x1a8: {  	v26 =	vadd.s32 v4, v12;
	v16 =	vand.u32 $0x7E, v16;
	v23 =	vld [tilespmem:s23+$0x40];
	[tilespmem:v22+s16+$0x0] =	vst.idx.msk $0xffff, v21  }
0x1a9: {  	v28 =	vadd.s32 v4, v16;
	v27 =	vld [tilespmem:s23+$0x80];
	[tilespmem:v25+s16+$0x0] =	vst.idx.msk $0xffff, v24  }
0x1aa: {  	v25 =	vadd.s32 v6, v8;
	[tilespmem:v20+s16+$0x0] =	vst.idx.msk $0xffff, v19;
	v24 =	vld [tilespmem:s24+$0xA0]  }
0x1ab: {  	[tilespmem:v18+s16+$0x0] =	vst.idx.msk $0xffff, v14;
	v14 =	vld [tilespmem:s23+$0xD0];
	v18 =	vadd.s32 v5, v11  }
0x1ac: {  	v30 =	vadd.s32 v5, v15;
	v29 =	vld [tilespmem:s23+$0x10];
	[tilespmem:v17+s16+$0x0] =	vst.idx.msk $0xffff, v13  }
0x1ad: {  	[tilespmem:v26+s16+$0x0] =	vst.idx.msk $0xffff, v23;
	v23 =	vld [tilespmem:s24+$0x70];
	v26 =	vadd.s32 v7, v10;
	v10 =	vmov v12  }
.Ltmp4:
0x1ae: {  	v21 =	vld [tilespmem:s23+$0x50];
	v22 =	vadd.s32 v5, v10;
	[tilespmem:v28+s16+$0x0] =	vst.idx.msk $0xffff, v27;
	(pc) =	sbr.rel @p0 .LBB2_11-.Ltmp4, $4  }
0x1af: {  	v20 =	vadd.s32 v5, v16;
	v19 =	vld [tilespmem:s23+$0x90];
	[tilespmem:v25+s16+$0x0] =	vst.idx.msk $0xffff, v24  }
0x1b0: {  	[tilespmem:v18+s16+$0x0] =	vst.idx.msk $0xffff, v14;
	v14 =	vld [tilespmem:s24+$0xB0];
	v18 =	vadd.s32 v7, v8;
	v8 =	vmov v16  }
0x1b1: {  	v16 =	vadd.s32 v6, v11;
	[tilespmem:v30+s16+$0x0] =	vst.idx.msk $0xffff, v29;
	v12 =	vld [tilespmem:s23+$0xE0]  }
0x1b2: {  	s25 =	sadd.s32 $0x4, s25;
	s26 =	sadd.s32 $0x3, s22;
	v17 =	vadd.s32 v6, v15;
	v13 =	vld [tilespmem:s23+$0x20];
	[tilespmem:v26+s16+$0x0] =	vst.idx.msk $0xffff, v23  }
0x1b3: {  	_ =	sdelay $0x2  }
0x1b4: {  	v23 =	vmov s26  }
0x1b5: {  	s25 =	sadd.s32 $0x1, s22;
	[tilespmem:v22+s16+$0x0] =	vst.idx.msk $0xffff, v21;
	v29 =	vld [tilespmem:s24+$0x30];
	v9 =	vadd.s32 v7, v9;
	s30 =	sadd.s32 $0x100, s23;
	v25 =	vmov s22;
	v30 =	vand.u32 $0x7F, v23  }
0x1b6: {  	s31 =	sadd.s32 $0x2, s22;
	v31 =	vmov s25;
	[tilespmem:v20+s16+$0x0] =	vst.idx.msk $0xffff, v19;
	v32 =	vld [tilespmem:s30+$0xC0];
	v25 =	vand.u32 $0x7C, v25;
	v33 =	vadd.s32 v4, v30  }
0x1b7: {  	v24 =	vmov s31;
	v26 =	vld [tilespmem:s30+$0x0];
	v23 =	vand.u32 $0x7D, v31;
	[tilespmem:v18+s16+$0x0] =	vst.idx.msk $0xffff, v14;
	v38 =	vadd.s32 v4, v25  }
0x1b8: {  	v34 =	vld [tilespmem:s30+$0x40];
	v24 =	vand.u32 $0x7E, v24;
	v35 =	vadd.s32 v4, v23;
	[tilespmem:v16+s16+$0x0] =	vst.idx.msk $0xffff, v12  }
0x1b9: {  	v36 =	vld [tilespmem:s30+$0x80];
	v37 =	vadd.s32 v4, v24;
	[tilespmem:v17+s16+$0x0] =	vst.idx.msk $0xffff, v13  }
0x1ba: {  	v40 =	vadd.s32 v6, v10;
	v39 =	vld [tilespmem:s23+$0x60];
	[tilespmem:v9+s16+$0x0] =	vst.idx.msk $0xffff, v29  }
0x1bb: {  	v48 =	vadd.s32 v6, v8;
	v47 =	vld [tilespmem:s23+$0xA0];
	[tilespmem:v33+s16+$0x0] =	vst.idx.msk $0xffff, v32  }
0x1bc: {  	v42 =	vadd.s32 v5, v30;
	[tilespmem:v38+s16+$0x0] =	vst.idx.msk $0xffff, v26;
	v19 =	vld [tilespmem:s30+$0xD0]  }
0x1bd: {  	v46 =	vadd.s32 v5, v25;
	[tilespmem:v35+s16+$0x0] =	vst.idx.msk $0xffff, v34;
	v45 =	vld [tilespmem:s30+$0x10]  }
0x1be: {  	v43 =	vadd.s32 v5, v23;
	[tilespmem:v37+s16+$0x0] =	vst.idx.msk $0xffff, v36;
	v14 =	vld [tilespmem:s30+$0x50]  }
0x1bf: {  	v44 =	vadd.s32 v5, v24;
	[tilespmem:v40+s16+$0x0] =	vst.idx.msk $0xffff, v39;
	v12 =	vld [tilespmem:s30+$0x90]  }
0x1c0: {  	v11 =	vadd.s32 v7, v11;
	v41 =	vld [tilespmem:s23+$0xF0];
	[tilespmem:v48+s16+$0x0] =	vst.idx.msk $0xffff, v47  }
0x1c1: {  	v8 =	vadd.s32 v7, v8;
	v17 =	vld [tilespmem:s23+$0xB0];
	[tilespmem:v42+s16+$0x0] =	vst.idx.msk $0xffff, v19  }
0x1c2: {  	v51 =	vadd.s32 v6, v30;
	[tilespmem:v46+s16+$0x0] =	vst.idx.msk $0xffff, v45;
	v19 =	vld [tilespmem:s30+$0xE0]  }
0x1c3: {  	v56 =	vadd.s32 v6, v25;
	[tilespmem:v43+s16+$0x0] =	vst.idx.msk $0xffff, v14;
	v55 =	vld [tilespmem:s30+$0x20]  }
0x1c4: {  	v52 =	vadd.s32 v6, v23;
	[tilespmem:v44+s16+$0x0] =	vst.idx.msk $0xffff, v12;
	v14 =	vld [tilespmem:s30+$0x60]  }
0x1c5: {  	v54 =	vadd.s32 v6, v24;
	[tilespmem:v11+s16+$0x0] =	vst.idx.msk $0xffff, v41;
	v53 =	vld [tilespmem:s30+$0xA0]  }
0x1c6: {  	v58 =	vadd.s32 v7, v15;
	v57 =	vld [tilespmem:s23+$0x30];
	[tilespmem:v8+s16+$0x0] =	vst.idx.msk $0xffff, v17  }
0x1c7: {  	v50 =	vadd.s32 v7, v10;
	v49 =	vld [tilespmem:s23+$0x70];
	[tilespmem:v51+s16+$0x0] =	vst.idx.msk $0xffff, v19  }
0x1c8: {  	v60 =	vadd.s32 v7, v30;
	[tilespmem:v56+s16+$0x0] =	vst.idx.msk $0xffff, v55;
	v59 =	vld [tilespmem:s30+$0xF0]  }
0x1c9: {  	v63 =	vadd.s32 v7, v25;
	[tilespmem:v52+s16+$0x0] =	vst.idx.msk $0xffff, v14;
	v8 =	vld [tilespmem:s30+$0x30]  }
0x1ca: {  	v61 =	vadd.s32 v7, v23;
	[tilespmem:v54+s16+$0x0] =	vst.idx.msk $0xffff, v53;
	v14 =	vld [tilespmem:s30+$0x70]  }
0x1cb: {  	v62 =	vadd.s32 v7, v24;
	[tilespmem:v58+s16+$0x0] =	vst.idx.msk $0xffff, v57;
	v9 =	vld [tilespmem:s30+$0xB0]  }
0x1cc: {  	[tilespmem:v50+s16+$0x0] =	vst.idx.msk $0xffff, v49  }
0x1cd: {  	[tilespmem:v60+s16+$0x0] =	vst.idx.msk $0xffff, v59  }
0x1ce: {  	[tilespmem:v63+s16+$0x0] =	vst.idx.msk $0xffff, v8  }
0x1cf: {  	s21 =	sadd.s32 s21, s1;
	[tilespmem:v61+s16+$0x0] =	vst.idx.msk $0xffff, v14  }
0x1d0: {  	s26 =	simm.s32 $0xC600;
	s22 =	sadd.s32 $0x100, s21;
	[tilespmem:v62+s16+$0x0] =	vst.idx.msk $0xffff, v9  }
0x1d1: {  	[hbm4b:s22+s2] =	stream.linear.scatter [tilespmem:s26], [sflag:$0x4], $0x80, $0x38;
	[tilespmem:$0x10A00] =	vst v63  }
0x1d2: {  	s28 =	simm.s32 $0xC688;
	s29 =	sadd.s32 $0x10, s22  }
0x1d3: {  	[hbm4b:s29+s2] =	stream.linear.scatter [tilespmem:s28], [sflag:$0x4], $0x80, $0x38;
	[tilespmem:$0x10A00] =	vst v63  }
0x1d4: {  	s31 =	sadd.s32 $0x20, s22;
	s30 =	simm.s32 $0xC710  }
0x1d5: {  	[hbm4b:s31+s2] =	stream.linear.scatter [tilespmem:s30], [sflag:$0x4], $0x80, $0x38;
	[tilespmem:$0x10A00] =	vst v63  }
0x1d6: {  	s24 =	sadd.s32 $0x30, s22;
	s23 =	simm.s32 $0xC798  }
0x1d7: {  	[hbm4b:s24+s2] =	stream.linear.scatter [tilespmem:s23], [sflag:$0x4], $0x80, $0x38;
	[tilespmem:$0x10A00] =	vst v63  }
0x1d8: {  	s25 =	simm.s32 $0xC820;
	s26 =	sadd.s32 $0x40, s22  }
0x1d9: {  	[hbm4b:s26+s2] =	stream.linear.scatter [tilespmem:s25], [sflag:$0x4], $0x80, $0x38;
	[tilespmem:$0x10A00] =	vst v63  }
0x1da: {  	s28 =	simm.s32 $0xC8A8;
	s29 =	sadd.s32 $0x50, s22  }
0x1db: {  	[hbm4b:s29+s2] =	stream.linear.scatter [tilespmem:s28], [sflag:$0x4], $0x80, $0x38;
	[tilespmem:$0x10A00] =	vst v63  }
0x1dc: {  	s30 =	simm.s32 $0xC930;
	s31 =	sadd.s32 $0x60, s22  }
0x1dd: {  	[hbm4b:s31+s2] =	stream.linear.scatter [tilespmem:s30], [sflag:$0x4], $0x80, $0x38;
	[tilespmem:$0x10A00] =	vst v63  }
0x1de: {  	s23 =	simm.s32 $0xC9B8;
	s24 =	sadd.s32 $0x70, s22  }
0x1df: {  	[hbm4b:s24+s2] =	stream.linear.scatter [tilespmem:s23], [sflag:$0x4], $0x80, $0x38;
	[tilespmem:$0x10A00] =	vst v63  }
0x1e0: {  	s25 =	simm.s32 $0xCA40;
	s26 =	sadd.s32 $0x80, s22  }
0x1e1: {  	[hbm4b:s26+s2] =	stream.linear.scatter [tilespmem:s25], [sflag:$0x4], $0x80, $0x38;
	[tilespmem:$0x10A00] =	vst v63  }
0x1e2: {  	s28 =	simm.s32 $0xCAC8;
	s29 =	sadd.s32 $0x90, s22  }
0x1e3: {  	[hbm4b:s29+s2] =	stream.linear.scatter [tilespmem:s28], [sflag:$0x4], $0x80, $0x38;
	[tilespmem:$0x10A00] =	vst v63  }
0x1e4: {  	s21 =	simm.s32 $0x880;
	s30 =	simm.s32 $0xCB50;
	s31 =	sadd.s32 $0xA0, s22  }
0x1e5: {  	[hbm4b:s31+s2] =	stream.linear.scatter [tilespmem:s30], [sflag:$0x4], $0x80, $0x38;
	[tilespmem:$0x10A00] =	vst v63  }
0x1e6: {  	s23 =	simm.s32 $0xCBD8;
	s24 =	sadd.s32 $0xB0, s22;
	s25 =	simm.s32 $0xCC60  }
0x1e7: {  	[hbm4b:s24+s2] =	stream.linear.scatter [tilespmem:s23], [sflag:$0x4], $0x80, $0x38;
	[tilespmem:$0x10A00] =	vst v63  }
0x1e8: {  	s26 =	sadd.s32 $0xC0, s22;
	s28 =	simm.s32 $0xCCE8;
	s29 =	sadd.s32 $0xD0, s22  }
0x1e9: {  	[hbm4b:s26+s2] =	stream.linear.scatter [tilespmem:s25], [sflag:$0x4], $0x80, $0x38;
	[tilespmem:$0x10A00] =	vst v63  }
0x1ea: {  	s30 =	simm.s32 $0xCD70;
	s31 =	sadd.s32 $0xE0, s22;
	s23 =	simm.s32 $0xCDF8  }
0x1eb: {  	[hbm4b:s29+s2] =	stream.linear.scatter [tilespmem:s28], [sflag:$0x4], $0x80, $0x38;
	[tilespmem:$0x10A00] =	vst v63  }
0x1ec: {  	s25 =	simm.s32 $0x4400;
	s26 =	sadd.s32 $0xF0, s22;
	s22 =	sadd.s32 $0x4000, s22  }
0x1ed: {  	[hbm4b:s31+s2] =	stream.linear.scatter [tilespmem:s30], [sflag:$0x4], $0x80, $0x38;
	[tilespmem:$0x10A00] =	vst v63  }
.LBB2_13:
0x1ee: {  	[hbm4b:s26+s2] =	stream.linear.scatter [tilespmem:s23], [sflag:$0x4], $0x80, $0x38;
	[tilespmem:$0x10A00] =	vst v63  }
0x1ef: {  	s23 =	smov.u32 s21;
	s21 =	smov.u32 s25  }
0x1f0: {  	s24 =	sadd.s32 $0x2200, s25;
	s21 =	sshra.s32 s21, $0x2;
	s26 =	sadd.s32 $0xC600, s23  }
0x1f1: {  	[hbm4b:s22+s2] =	stream.linear.scatter [tilespmem:s26], [sflag:$0x4], $0x80, $0x38;
	[tilespmem:$0x10A00] =	vst v63  }
0x1f2: {  	p0 =	sne.s32 s25, $0xEE00;
	s25 =	sadd.s32 $0xC688, s23;
	s26 =	sadd.s32 $0x10, s22  }
0x1f3: {  	[hbm4b:s26+s2] =	stream.linear.scatter [tilespmem:s25], [sflag:$0x4], $0x80, $0x38;
	[tilespmem:$0x10A00] =	vst v63  }
0x1f4: {  	s25 =	sadd.s32 $0xC710, s23;
	s26 =	sadd.s32 $0x20, s22  }
0x1f5: {  	[hbm4b:s26+s2] =	stream.linear.scatter [tilespmem:s25], [sflag:$0x4], $0x80, $0x38;
	[tilespmem:$0x10A00] =	vst v63  }
0x1f6: {  	s25 =	sadd.s32 $0xC798, s23;
	s26 =	sadd.s32 $0x30, s22  }
0x1f7: {  	[hbm4b:s26+s2] =	stream.linear.scatter [tilespmem:s25], [sflag:$0x4], $0x80, $0x38;
	[tilespmem:$0x10A00] =	vst v63  }
0x1f8: {  	s25 =	sadd.s32 $0xC820, s23;
	s26 =	sadd.s32 $0x40, s22  }
0x1f9: {  	[hbm4b:s26+s2] =	stream.linear.scatter [tilespmem:s25], [sflag:$0x4], $0x80, $0x38;
	[tilespmem:$0x10A00] =	vst v63  }
0x1fa: {  	s25 =	sadd.s32 $0xC8A8, s23;
	s26 =	sadd.s32 $0x50, s22  }
0x1fb: {  	[hbm4b:s26+s2] =	stream.linear.scatter [tilespmem:s25], [sflag:$0x4], $0x80, $0x38;
	[tilespmem:$0x10A00] =	vst v63  }
0x1fc: {  	s25 =	sadd.s32 $0xC930, s23;
	s26 =	sadd.s32 $0x60, s22  }
0x1fd: {  	[hbm4b:s26+s2] =	stream.linear.scatter [tilespmem:s25], [sflag:$0x4], $0x80, $0x38;
	[tilespmem:$0x10A00] =	vst v63  }
0x1fe: {  	s25 =	sadd.s32 $0xC9B8, s23;
	s26 =	sadd.s32 $0x70, s22  }
0x1ff: {  	[hbm4b:s26+s2] =	stream.linear.scatter [tilespmem:s25], [sflag:$0x4], $0x80, $0x38;
	[tilespmem:$0x10A00] =	vst v63  }
0x200: {  	s25 =	sadd.s32 $0xCA40, s23;
	s26 =	sadd.s32 $0x80, s22  }
0x201: {  	[hbm4b:s26+s2] =	stream.linear.scatter [tilespmem:s25], [sflag:$0x4], $0x80, $0x38;
	[tilespmem:$0x10A00] =	vst v63  }
0x202: {  	s25 =	sadd.s32 $0xCAC8, s23;
	s26 =	sadd.s32 $0x90, s22  }
0x203: {  	[hbm4b:s26+s2] =	stream.linear.scatter [tilespmem:s25], [sflag:$0x4], $0x80, $0x38;
	[tilespmem:$0x10A00] =	vst v63  }
0x204: {  	s25 =	sadd.s32 $0xCB50, s23;
	s26 =	sadd.s32 $0xA0, s22  }
0x205: {  	[hbm4b:s26+s2] =	stream.linear.scatter [tilespmem:s25], [sflag:$0x4], $0x80, $0x38;
	[tilespmem:$0x10A00] =	vst v63  }
0x206: {  	s25 =	sadd.s32 $0xCBD8, s23;
	s26 =	sadd.s32 $0xB0, s22  }
0x207: {  	[hbm4b:s26+s2] =	stream.linear.scatter [tilespmem:s25], [sflag:$0x4], $0x80, $0x38;
	[tilespmem:$0x10A00] =	vst v63  }
0x208: {  	s25 =	sadd.s32 $0xCC60, s23;
	s26 =	sadd.s32 $0xC0, s22  }
0x209: {  	[hbm4b:s26+s2] =	stream.linear.scatter [tilespmem:s25], [sflag:$0x4], $0x80, $0x38;
	[tilespmem:$0x10A00] =	vst v63  }
.Ltmp5:
0x20a: {  	s25 =	sadd.s32 $0xCCE8, s23;
	s26 =	sadd.s32 $0xD0, s22;
	(pc) =	sbr.rel @p0 .LBB2_13-.Ltmp5, $4  }
0x20b: {  	[hbm4b:s26+s2] =	stream.linear.scatter [tilespmem:s25], [sflag:$0x4], $0x80, $0x38;
	[tilespmem:$0x10A00] =	vst v63  }
0x20c: {  	s25 =	sadd.s32 $0xCD70, s23;
	s26 =	sadd.s32 $0xE0, s22;
	s23 =	sadd.s32 $0xCDF8, s23  }
0x20d: {  	[hbm4b:s26+s2] =	stream.linear.scatter [tilespmem:s25], [sflag:$0x4], $0x80, $0x38;
	[tilespmem:$0x10A00] =	vst v63  }
0x20e: {  	s26 =	sadd.s32 $0xF0, s22;
	s22 =	sadd.s32 $0x4000, s22;
	s25 =	smov.u32 s24  }
0x20f: {  	[hbm4b:s26+s2] =	stream.linear.scatter [tilespmem:s23], [sflag:$0x4], $0x80, $0x38;
	[tilespmem:$0x10A00] =	vst v63  }
0x210: {  	s25 =	sadd.s32 $0xC600, s21  }
0x211: {  	[hbm4b:s22+s2] =	stream.linear.scatter [tilespmem:s25], [sflag:$0x4], $0x80, $0x38;
	[tilespmem:$0x10A00] =	vst v63  }
0x212: {  	s26 =	sadd.s32 $0xC688, s21;
	s24 =	sadd.s32 $0x10, s22  }
0x213: {  	[hbm4b:s24+s2] =	stream.linear.scatter [tilespmem:s26], [sflag:$0x4], $0x80, $0x38;
	[tilespmem:$0x10A00] =	vst v63  }
0x214: {  	s28 =	sadd.s32 $0xC710, s21;
	s29 =	sadd.s32 $0x20, s22  }
0x215: {  	[hbm4b:s29+s2] =	stream.linear.scatter [tilespmem:s28], [sflag:$0x4], $0x80, $0x38;
	[tilespmem:$0x10A00] =	vst v63  }
0x216: {  	s30 =	sadd.s32 $0xC798, s21;
	s31 =	sadd.s32 $0x30, s22  }
0x217: {  	[hbm4b:s31+s2] =	stream.linear.scatter [tilespmem:s30], [sflag:$0x4], $0x80, $0x38;
	[tilespmem:$0x10A00] =	vst v63  }
0x218: {  	s25 =	sadd.s32 $0xC820, s21;
	s26 =	sadd.s32 $0x40, s22  }
0x219: {  	[hbm4b:s26+s2] =	stream.linear.scatter [tilespmem:s25], [sflag:$0x4], $0x80, $0x38;
	[tilespmem:$0x10A00] =	vst v63  }
0x21a: {  	s28 =	sadd.s32 $0xC8A8, s21;
	s29 =	sadd.s32 $0x50, s22  }
0x21b: {  	[hbm4b:s29+s2] =	stream.linear.scatter [tilespmem:s28], [sflag:$0x4], $0x80, $0x38;
	[tilespmem:$0x10A00] =	vst v63  }
0x21c: {  	s30 =	sadd.s32 $0xC930, s21;
	s31 =	sadd.s32 $0x60, s22  }
0x21d: {  	[hbm4b:s31+s2] =	stream.linear.scatter [tilespmem:s30], [sflag:$0x4], $0x80, $0x38;
	[tilespmem:$0x10A00] =	vst v63  }
0x21e: {  	s25 =	sadd.s32 $0xC9B8, s21;
	s26 =	sadd.s32 $0x70, s22  }
0x21f: {  	[hbm4b:s26+s2] =	stream.linear.scatter [tilespmem:s25], [sflag:$0x4], $0x80, $0x38;
	[tilespmem:$0x10A00] =	vst v63  }
0x220: {  	s28 =	sadd.s32 $0xCA40, s21;
	s29 =	sadd.s32 $0x80, s22  }
0x221: {  	[hbm4b:s29+s2] =	stream.linear.scatter [tilespmem:s28], [sflag:$0x4], $0x80, $0x38;
	[tilespmem:$0x10A00] =	vst v63  }
0x222: {  	s30 =	sadd.s32 $0xCAC8, s21;
	s31 =	sadd.s32 $0x90, s22  }
0x223: {  	[hbm4b:s31+s2] =	stream.linear.scatter [tilespmem:s30], [sflag:$0x4], $0x80, $0x38;
	[tilespmem:$0x10A00] =	vst v63  }
0x224: {  	s25 =	sadd.s32 $0xCB50, s21;
	s26 =	sadd.s32 $0xA0, s22  }
0x225: {  	[hbm4b:s26+s2] =	stream.linear.scatter [tilespmem:s25], [sflag:$0x4], $0x80, $0x38;
	[tilespmem:$0x10A00] =	vst v63  }
0x226: {  	s28 =	sadd.s32 $0xCBD8, s21;
	s29 =	sadd.s32 $0xB0, s22  }
0x227: {  	[hbm4b:s29+s2] =	stream.linear.scatter [tilespmem:s28], [sflag:$0x4], $0x80, $0x38;
	[tilespmem:$0x10A00] =	vst v63  }
0x228: {  	s20 =	sadd.s32 $0x1, s20;
	s30 =	sadd.s32 $0xCC60, s21;
	s31 =	sadd.s32 $0xC0, s22  }
0x229: {  	[hbm4b:s31+s2] =	stream.linear.scatter [tilespmem:s30], [sflag:$0x4], $0x80, $0x38;
	[tilespmem:$0x10A00] =	vst v63  }
0x22a: {  	p0 =	sne.s32 s20, $0x32;
	s25 =	sadd.s32 $0xCCE8, s21;
	s26 =	sadd.s32 $0xD0, s22  }
0x22b: {  	[hbm4b:s26+s2] =	stream.linear.scatter [tilespmem:s25], [sflag:$0x4], $0x80, $0x38;
	[tilespmem:$0x10A00] =	vst v63  }
.Ltmp6:
0x22c: {  	_ = 	snop;
	(pc) =	sbr.rel @p0 .LBB2_2-.Ltmp6, $4  }
0x22d: {  	s28 =	sadd.s32 $0xCD70, s21;
	s29 =	sadd.s32 $0xE0, s22  }
0x22e: {  	[hbm4b:s29+s2] =	stream.linear.scatter [tilespmem:s28], [sflag:$0x4], $0x80, $0x38;
	[tilespmem:$0x10A00] =	vst v63  }
0x22f: {  	s30 =	sadd.s32 $0xCDF8, s21;
	s31 =	sadd.s32 $0xF0, s22  }
0x230: {  	[hbm4b:s31+s2] =	stream.linear.scatter [tilespmem:s30], [sflag:$0x4], $0x80, $0x38;
	[tilespmem:$0x10A00] =	vst v63  }
0x231: {  	s19 =	sadd.s32 $0x1, s19  }
0x232: {  	_ =	swait.ge [sflag:s17], $0x4000;
	p0 =	sne.s32 s19, s8  }
.Ltmp7:
0x233: {  	[sflag:s17] =	ssyncset.done $0x0;
	(pc) =	sbr.rel @p0 .LBB2_1-.Ltmp7, $4  }
0x234: {  	[sflag:s17] =	ssyncadd.s32 $0xFFFFC000  }
0x235: {  	_ =	swait.ge [sflag:s18], $0x4000  }
0x236: {  	[sflag:s18] =	ssyncset.done $0x0  }
0x237: {  	[sflag:s18] =	ssyncadd.s32 $0xFFFFC000  }
0x238: {  	_ =	sfence.sel $0x180000  }
0x239: {  	[bflag:$0x0] =	sbarrier.arrive $0xFFFF  }
0x23a: {  	p0 =	sne.s32 s3, $0x0;
	_ =	strace $0x90000047  }
0x23b: {  	s0 =	sadd.s32 @!p0 $0x100000, s0;
	[bflag:$0x2] =	sbarrier.arrive $0xFFFF  }
0x23c: {  	[sflag:s0] =	ssyncadd.tile.s32 @!p0 $0x1;
	_ =	shalt  }
.Lfunc_end2:
_tile_overlayer_lowered:
.L_overlay_start_2:
0x23d: {  	(tag) =	ssettag $0x2  }
0x23e: {  	s0 =	rddreg [dreg:$0x0];
	s2 =	stileid.u32  }
0x23f: {  	s1 =	rddreg [dreg:$0x1];
	p0 =	sne.s32 s2, $0x0  }
0x240: {  	s3 =	rddreg [dreg:$0x2];
	[bflag:$0x3] =	sbarrier.arrive $0xFFFF;
	s2 =	simm.s32 @!p0 $0x1C05  }
0x241: {  	[timem:s3], [sflag:s2] =	dma.local @!p0 [hbm:s0], s1  }
0x242: {  	s0 =	simm.s32 @!p0 $0x5  }
0x243: {  	_ =	swait.ge @!p0 [sflag:s0], s1  }
0x244: {  	s1 =	ssub.s32 @!p0 $0x0, s1;
	[sflag:s0] =	ssyncset.done @!p0 $0x0  }
0x245: {  	[sflag:s0] =	ssyncadd.s32 @!p0 s1  }
0x246: {  	[bflag:$0x3] =	sbarrier.arrive $0xFFFF  }
0x247: {  	_ =	shalt  }

</sc_bundles>
